<compile_context>
chip_gen: v7x
topology: tpu7x:2x2x1
jax: 0.10.2.dev20260603
libtpu: 0.0.44.dev20260713+nightly
codegen_flags: <defaults>
</compile_context>

<pallas_src>
import functools

import jax
import jax.numpy as jnp
from jax import lax
from jax.experimental import pallas as pl
from jax.experimental.pallas import tpu as pltpu
from jax.experimental.pallas import tpu_sc as plsc

B = 4096
F = 26
FP = 32
V = 1000
TOTAL = F * V
D = 16
IN_MLP = F * D
INP = FP * D
H = 400

NC, NS, L = 2, 16, 16
NW = NC * NS
RPW = B // NW
PPW = RPW * FP


def _sc_gather(x4, emb1k, fcf):
    mesh = plsc.VectorSubcoreMesh(core_axis_name="c", subcore_axis_name="s")

    @functools.partial(
        pl.kernel,
        out_type=[
            jax.ShapeDtypeStruct((NW, PPW, D), jnp.float32),
            jax.ShapeDtypeStruct((NW, RPW, 128), jnp.float32),
        ],
        mesh=mesh,
        compiler_params=pltpu.CompilerParams(
            needs_layout_passes=False, use_tc_tiling_on_sc=False),
        scratch_types=[
            pltpu.VMEM((FP, 128), jnp.int32),
            pltpu.VMEM((PPW, D), jnp.float32),
            pltpu.VMEM((TOTAL,), jnp.float32),
            pltpu.VMEM((RPW, 128), jnp.float32),
            pltpu.SemaphoreType.DMA,
        ],
    )
    def k(emb_hbm, x4_hbm, fcf_hbm, rows_out, fcv_out, idx_v, rows_v, fc_v,
          fcv_v, sem):
        wid = lax.axis_index("s") * NC + lax.axis_index("c")
        pltpu.sync_copy(x4_hbm.at[wid], idx_v)
        cps = [
            pltpu.async_copy(
                emb_hbm.at[idx_v.at[t]],
                rows_v.at[pl.ds(t * 128, 128)],
                sem,
            )
            for t in range(FP)
        ]
        pltpu.sync_copy(fcf_hbm, fc_v)
        iota = lax.iota(jnp.int32, L)

        def body(a, _):
            for kk in range(128 // L):
                xv = idx_v[a, pl.ds(kk * L, L)]
                jp = (kk % 2) * L + iota
                field = jnp.minimum(jp, F - 1)
                val = plsc.load_gather(fc_v, [xv + field * V])
                fcv_v[a * 4 + kk // 2, pl.ds((kk % 2) * L, L)] = val
            return _

        lax.fori_loop(0, FP, body, None)
        for cp in cps:
            cp.wait()
        pltpu.sync_copy(rows_v, rows_out.at[wid])
        pltpu.sync_copy(fcv_v, fcv_out.at[wid])

    return k(emb1k, x4, fcf)


def _tc_body(embed_ref, fcv_ref, w1, b1, w2, b2, w3, b3, w4, b4, bias,
             out_ref, s_acc, fm_pre):
    i = pl.program_id(0)
    nt = pl.num_programs(0) - 1
    bt = embed_ref.shape[0] // 4

    @pl.when(i == 0)
    def _():
        s_acc[0] = 0.0

    @pl.when(i < nt)
    def _():
        ef = jnp.reshape(embed_ref[...], (bt, INP))
        er = ef[:, :IN_MLP]
        rs = jnp.sum(er, axis=1)
        s_acc[0] += jnp.sum(rs * rs) - jnp.sum(er * er)
        e = ef.astype(jnp.bfloat16)
        h = jnp.maximum(jnp.dot(e, w1[...], preferred_element_type=jnp.float32)
                        + b1[...], 0.0).astype(jnp.bfloat16)
        h = jnp.maximum(jnp.dot(h, w2[...], preferred_element_type=jnp.float32)
                        + b2[...], 0.0).astype(jnp.bfloat16)
        h = jnp.maximum(jnp.dot(h, w3[...], preferred_element_type=jnp.float32)
                        + b3[...], 0.0)
        mlp = jnp.sum(h * w4[...], axis=1) + b4[0, 0]
        lin = jnp.sum(fcv_ref[...][:, :F], axis=1)
        fm_pre[pl.ds(i * bt, bt)] = lin + mlp

    @pl.when(i == nt)
    def _():
        fm = fm_pre[...] + (bias[0, 0] + 0.5 * s_acc[0])
        out_ref[...] = jnp.reshape(jax.nn.sigmoid(fm), (NW, 128))


def _tc_mlp(embed128, fcv128, bias, w1, b1, w2, b2, w3, b3, w4, b4):
    bt = 1024
    nt = B // bt
    full = lambda shape: pl.BlockSpec(shape, lambda i: (0, 0))
    tile = lambda i: (jnp.minimum(i, nt - 1), 0)
    return pl.pallas_call(
        _tc_body,
        grid=(nt + 1,),
        in_specs=[
            pl.BlockSpec((4 * bt, 128), tile),
            pl.BlockSpec((bt, 128), tile),
            full((INP, H)),
            full((1, H)),
            full((H, H)),
            full((1, H)),
            full((H, H)),
            full((1, H)),
            full((1, H)),
            full((1, 1)),
            full((1, 1)),
        ],
        out_specs=pl.BlockSpec((NW, 128), lambda i: (0, 0)),
        out_shape=jax.ShapeDtypeStruct((NW, 128), jnp.float32),
        scratch_shapes=[pltpu.SMEM((1,), jnp.float32),
                        pltpu.VMEM((B,), jnp.float32)],
    )(embed128, fcv128, w1, b1, w2, b2, w3, b3, w4, b4, bias)

def kernel(x, bias, fc, emb, W1, b1, W2, b2, W3, b3, W4, b4):
    xi = x.astype(jnp.int32)
    x4 = jnp.concatenate([xi, xi[:, : FP - F]], axis=1).reshape(NW, FP, 128)
    fcf = fc.reshape(TOTAL)
    rows, fcv = _sc_gather(x4, emb[:V], fcf)
    embed128 = rows.reshape(B * 4, 128)
    fcv128 = fcv.reshape(B, 128)
    w1p = jnp.pad(W1.astype(jnp.bfloat16), ((0, INP - IN_MLP), (0, 0)))
    out = _tc_mlp(
        embed128, fcv128, bias.reshape(1, 1),
        w1p, b1.reshape(1, H),
        W2.astype(jnp.bfloat16), b2.reshape(1, H),
        W3.astype(jnp.bfloat16), b3.reshape(1, H),
        W4.reshape(1, H), b4.reshape(1, 1),
    )
    return out.reshape(B, 1)

# --- scband reference (transcript-rebuilt; emitter-appended) ---
"""Pipeline reference for scband-deep-fm-37349035606580 (READ-ONLY COPY).

The authoritative reference and input builder live on the scoring server;
editing this copy changes nothing except your own understanding.
"""

import jax, jax.numpy as jnp
import numpy as np

B = 4096
N_FIELDS = 26
FIELD_V = 1000
TOTAL = N_FIELDS * FIELD_V
D = 16
H = 400
IN_MLP = N_FIELDS * D


def setup_inputs(seed: int = 0) -> dict:
    key = jax.random.key(seed)
    ks = jax.random.split(key, 8)
    x = jax.random.randint(ks[0], (B, N_FIELDS), 0, FIELD_V)
    bias = jnp.zeros((1,), jnp.float32)
    fc = jax.random.uniform(ks[1], (TOTAL, 1), jnp.float32)
    emb = jax.random.normal(ks[2], (TOTAL, D), jnp.float32)
    W1 = jax.random.normal(ks[3], (IN_MLP, H), jnp.float32) / np.sqrt(IN_MLP)
    b1 = jnp.zeros((H,), jnp.float32)
    W2 = jax.random.normal(ks[4], (H, H), jnp.float32) / np.sqrt(H)
    b2 = jnp.zeros((H,), jnp.float32)
    W3 = jax.random.normal(ks[5], (H, H), jnp.float32) / np.sqrt(H)
    b3 = jnp.zeros((H,), jnp.float32)
    W4 = jax.random.normal(ks[6], (H, 1), jnp.float32) / np.sqrt(H)
    b4 = jnp.zeros((1,), jnp.float32)
    return dict(x=x, bias=bias, fc=fc, emb=emb, W1=W1, b1=b1, W2=W2, b2=b2, W3=W3, b3=b3, W4=W4, b4=b4)


def reference(x, bias, fc, emb, W1, b1, W2, b2, W3, b3, W4, b4):
    # num_features is empty -> cat_offset = 0, numeric branch is skipped
    Bn = x.shape[0]
    # embedding lookup with raw per-field indices (faithful to original code,
    # which does NOT add field offsets before the embedding gather)
    cat_embed_x = jnp.take(emb, x, axis=0).reshape(Bn, -1)  # (B, 26*16)
    embed_x = cat_embed_x
    # FM input: offset indices -> dense multi-hot via scatter-overwrite
    sizes = np.full(N_FIELDS, FIELD_V, dtype=np.int64)
    offsets = np.concatenate([[0], np.cumsum(sizes)[:-1]]).astype(np.int32)
    cat_idx = x + jnp.asarray(offsets)[None, :]
    rows = jnp.arange(Bn)[:, None]
    x_fm = jnp.zeros((Bn, TOTAL), jnp.float32).at[rows, cat_idx].set(1.0)
    # FM part (faithful, including the global reduction over batch in the
    # second-order term, as in the original 2-D embed_x formulation)
    fm_y = bias + jnp.sum(x_fm @ fc, axis=1)  # (B,)
    square_of_sum = jnp.sum(embed_x, axis=1) ** 2  # (B,)
    sum_of_square = jnp.sum(embed_x ** 2, axis=1)  # (B,)
    fm_y = fm_y + 0.5 * jnp.sum(square_of_sum - sum_of_square, axis=-1, keepdims=True)  # (B,) + (1,)
    fm_y = fm_y[:, None]  # (B, 1)
    # MLP part (dropout in eval mode -> identity)
    h = embed_x.reshape(-1, IN_MLP)
    h = jax.nn.relu(h @ W1 + b1)
    h = jax.nn.relu(h @ W2 + b2)
    h = jax.nn.relu(h @ W3 + b3)
    mlp_y = h @ W4 + b4  # (B, 1)
    return jax.nn.sigmoid(fm_y + mlp_y)

if __name__ == "__main__":
    import jax
    _d = setup_inputs()
    print(jax.jit(kernel)(*tuple(_d.values())))

</pallas_src>

<mosaic_0001>
#map = affine_map<(d0, d1) -> (0, 0)>
#map1 = affine_map<(d0, d1) -> (0, 0, 0)>
#map2 = affine_map<(d0, d1) -> (0)>
module attributes {stable_mosaic.version = 14 : i64} {
  func.func @k(%arg0: i32, %arg1: i32, %arg2: memref<1000x16xf32, #tpu.memory_space<hbm>>, %arg3: memref<32x32x128xi32, #tpu.memory_space<hbm>>, %arg4: memref<26000xf32, #tpu.memory_space<hbm>>, %arg5: memref<32x4096x16xf32, #tpu.memory_space<hbm>>, %arg6: memref<32x128x128xf32, #tpu.memory_space<hbm>>, %arg7: memref<32x128xi32, #tpu.memory_space<vmem>>, %arg8: memref<4096x16xf32, #tpu.memory_space<vmem>>, %arg9: memref<26000xf32, #tpu.memory_space<vmem>>, %arg10: memref<128x128xf32, #tpu.memory_space<vmem>>, %arg11: memref<!tpu.dma_semaphore, #tpu.memory_space<semaphore_mem>>) attributes {dimension_semantics = [#tpu.dimension_semantics<core_parallel>, #tpu.dimension_semantics<subcore_parallel>], iteration_bounds = array<i64: 2, 16>, scalar_prefetch = 0 : i64, scratch_operands = 5 : i64, tpu.core_type = #tpu.core_type<sc_vector_subcore>, window_params = [{transform_indices = #map}, {transform_indices = #map1}, {transform_indices = #map2}, {transform_indices = #map1}, {transform_indices = #map1}]} {
    %mul3A = arith.constant 2 : i32
    %mul3A_0 = arith.muli %arg1, %mul3A : i32
    %add3A = arith.addi %mul3A_0, %arg0 : i32
    "tpu.region"() ({
      %run_scoped3A = tpu.sem_alloc : memref<!tpu.dma_semaphore, #tpu.memory_space<semaphore_mem>>
      %dma_start3A_643 = arith.constant 0 : i32
      %dma_start3A_644 = arith.constant 0 : i32
      %dma_start3A_645 = tpu.memref_slice %arg3[%add3A, %dma_start3A_643, %dma_start3A_644] : memref<32x32x128xi32, #tpu.memory_space<hbm>> -> memref<1x32x128xi32, #tpu.memory_space<hbm>>
      %dma_start3A_646 = tpu.memref_squeeze %dma_start3A_645 : memref<1x32x128xi32, #tpu.memory_space<hbm>> -> memref<32x128xi32, #tpu.memory_space<hbm>>
      %dma_start3A_647 = arith.constant 0 : i32
      %dma_start3A_648 = arith.constant 0 : i32
      %dma_start3A_649 = tpu.memref_slice %arg3[%add3A, %dma_start3A_647, %dma_start3A_648] : memref<32x32x128xi32, #tpu.memory_space<hbm>> -> memref<1x32x128xi32, #tpu.memory_space<hbm>>
      %dma_start3A_650 = tpu.memref_squeeze %dma_start3A_649 : memref<1x32x128xi32, #tpu.memory_space<hbm>> -> memref<32x128xi32, #tpu.memory_space<hbm>>
      tpu.enqueue_dma source(%dma_start3A_650 : memref<32x128xi32, #tpu.memory_space<hbm>>) target(%arg7 : memref<32x128xi32, #tpu.memory_space<vmem>>) target_semaphore(%run_scoped3A : memref<!tpu.dma_semaphore, #tpu.memory_space<semaphore_mem>>)
      %dma_wait3A_651 = arith.constant 0 : i32
      %dma_wait3A_652 = arith.constant 0 : i32
      %dma_wait3A_653 = tpu.memref_slice %arg3[%add3A, %dma_wait3A_651, %dma_wait3A_652] : memref<32x32x128xi32, #tpu.memory_space<hbm>> -> memref<1x32x128xi32, #tpu.memory_space<hbm>>
      %dma_wait3A_654 = tpu.memref_squeeze %dma_wait3A_653 : memref<1x32x128xi32, #tpu.memory_space<hbm>> -> memref<32x128xi32, #tpu.memory_space<hbm>>
      %dma_wait3A_655 = arith.constant 0 : i32
      %dma_wait3A_656 = arith.constant 0 : i32
      %dma_wait3A_657 = tpu.memref_slice %arg3[%add3A, %dma_wait3A_655, %dma_wait3A_656] : memref<32x32x128xi32, #tpu.memory_space<hbm>> -> memref<1x32x128xi32, #tpu.memory_space<hbm>>
      %dma_wait3A_658 = tpu.memref_squeeze %dma_wait3A_657 : memref<1x32x128xi32, #tpu.memory_space<hbm>> -> memref<32x128xi32, #tpu.memory_space<hbm>>
      tpu.wait_dma2 semaphore(%run_scoped3A : memref<!tpu.dma_semaphore, #tpu.memory_space<semaphore_mem>>) src(%dma_wait3A_658 : memref<32x128xi32, #tpu.memory_space<hbm>>) dst(%arg7 : memref<32x128xi32, #tpu.memory_space<vmem>>)
      tpu.yield
    }) : () -> ()
    %dma_start3A = arith.constant 0 : i32
    %dma_start3A_1 = arith.constant 0 : i32
    %dma_start3A_2 = arith.constant 0 : i32
    %dma_start3A_3 = tpu.memref_slice %arg8[%dma_start3A_1, %dma_start3A_2] : memref<4096x16xf32, #tpu.memory_space<vmem>> -> memref<128x16xf32, #tpu.memory_space<vmem>>
    %dma_start3A_4 = arith.constant 0 : i32
    %dma_start3A_5 = tpu.memref_slice %arg7[%dma_start3A, %dma_start3A_4] : memref<32x128xi32, #tpu.memory_space<vmem>> -> memref<1x128xi32, #tpu.memory_space<vmem>>
    %dma_start3A_6 = tpu.memref_squeeze %dma_start3A_5 : memref<1x128xi32, #tpu.memory_space<vmem>> -> memref<128xi32, #tpu.memory_space<vmem>>
    %dma_start3A_7 = arith.constant 0 : i32
    %dma_start3A_8 = arith.constant 0 : i32
    %dma_start3A_9 = tpu.memref_slice %arg2[%dma_start3A_7, %dma_start3A_8] : memref<1000x16xf32, #tpu.memory_space<hbm>> -> memref<1000x16xf32, #tpu.memory_space<hbm>>
    tpu.enqueue_indirect_dma source(%dma_start3A_9 : memref<1000x16xf32, #tpu.memory_space<hbm>>) target(%dma_start3A_3 : memref<128x16xf32, #tpu.memory_space<vmem>>) offsets(%dma_start3A_6 : memref<128xi32, #tpu.memory_space<vmem>>) semaphore(%arg11 : memref<!tpu.dma_semaphore, #tpu.memory_space<semaphore_mem>>)
    %dma_start3A_10 = arith.constant 1 : i32
    %dma_start3A_11 = arith.constant 128 : i32
    %dma_start3A_12 = arith.constant 0 : i32
    %dma_start3A_13 = tpu.memref_slice %arg8[%dma_start3A_11, %dma_start3A_12] : memref<4096x16xf32, #tpu.memory_space<vmem>> -> memref<128x16xf32, #tpu.memory_space<vmem>>
    %dma_start3A_14 = arith.constant 0 : i32
    %dma_start3A_15 = tpu.memref_slice %arg7[%dma_start3A_10, %dma_start3A_14] : memref<32x128xi32, #tpu.memory_space<vmem>> -> memref<1x128xi32, #tpu.memory_space<vmem>>
    %dma_start3A_16 = tpu.memref_squeeze %dma_start3A_15 : memref<1x128xi32, #tpu.memory_space<vmem>> -> memref<128xi32, #tpu.memory_space<vmem>>
    %dma_start3A_17 = arith.constant 0 : i32
    %dma_start3A_18 = arith.constant 0 : i32
    %dma_start3A_19 = tpu.memref_slice %arg2[%dma_start3A_17, %dma_start3A_18] : memref<1000x16xf32, #tpu.memory_space<hbm>> -> memref<1000x16xf32, #tpu.memory_space<hbm>>
    tpu.enqueue_indirect_dma source(%dma_start3A_19 : memref<1000x16xf32, #tpu.memory_space<hbm>>) target(%dma_start3A_13 : memref<128x16xf32, #tpu.memory_space<vmem>>) offsets(%dma_start3A_16 : memref<128xi32, #tpu.memory_space<vmem>>) semaphore(%arg11 : memref<!tpu.dma_semaphore, #tpu.memory_space<semaphore_mem>>)
    %dma_start3A_20 = arith.constant 2 : i32
    %dma_start3A_21 = arith.constant 256 : i32
    %dma_start3A_22 = arith.constant 0 : i32
    %dma_start3A_23 = tpu.memref_slice %arg8[%dma_start3A_21, %dma_start3A_22] : memref<4096x16xf32, #tpu.memory_space<vmem>> -> memref<128x16xf32, #tpu.memory_space<vmem>>
    %dma_start3A_24 = arith.constant 0 : i32
    %dma_start3A_25 = tpu.memref_slice %arg7[%dma_start3A_20, %dma_start3A_24] : memref<32x128xi32, #tpu.memory_space<vmem>> -> memref<1x128xi32, #tpu.memory_space<vmem>>
    %dma_start3A_26 = tpu.memref_squeeze %dma_start3A_25 : memref<1x128xi32, #tpu.memory_space<vmem>> -> memref<128xi32, #tpu.memory_space<vmem>>
    %dma_start3A_27 = arith.constant 0 : i32
    %dma_start3A_28 = arith.constant 0 : i32
    %dma_start3A_29 = tpu.memref_slice %arg2[%dma_start3A_27, %dma_start3A_28] : memref<1000x16xf32, #tpu.memory_space<hbm>> -> memref<1000x16xf32, #tpu.memory_space<hbm>>
    tpu.enqueue_indirect_dma source(%dma_start3A_29 : memref<1000x16xf32, #tpu.memory_space<hbm>>) target(%dma_start3A_23 : memref<128x16xf32, #tpu.memory_space<vmem>>) offsets(%dma_start3A_26 : memref<128xi32, #tpu.memory_space<vmem>>) semaphore(%arg11 : memref<!tpu.dma_semaphore, #tpu.memory_space<semaphore_mem>>)
    %dma_start3A_30 = arith.constant 3 : i32
    %dma_start3A_31 = arith.constant 384 : i32
    %dma_start3A_32 = arith.constant 0 : i32
    %dma_start3A_33 = tpu.memref_slice %arg8[%dma_start3A_31, %dma_start3A_32] : memref<4096x16xf32, #tpu.memory_space<vmem>> -> memref<128x16xf32, #tpu.memory_space<vmem>>
    %dma_start3A_34 = arith.constant 0 : i32
    %dma_start3A_35 = tpu.memref_slice %arg7[%dma_start3A_30, %dma_start3A_34] : memref<32x128xi32, #tpu.memory_space<vmem>> -> memref<1x128xi32, #tpu.memory_space<vmem>>
    %dma_start3A_36 = tpu.memref_squeeze %dma_start3A_35 : memref<1x128xi32, #tpu.memory_space<vmem>> -> memref<128xi32, #tpu.memory_space<vmem>>
    %dma_start3A_37 = arith.constant 0 : i32
    %dma_start3A_38 = arith.constant 0 : i32
    %dma_start3A_39 = tpu.memref_slice %arg2[%dma_start3A_37, %dma_start3A_38] : memref<1000x16xf32, #tpu.memory_space<hbm>> -> memref<1000x16xf32, #tpu.memory_space<hbm>>
    tpu.enqueue_indirect_dma source(%dma_start3A_39 : memref<1000x16xf32, #tpu.memory_space<hbm>>) target(%dma_start3A_33 : memref<128x16xf32, #tpu.memory_space<vmem>>) offsets(%dma_start3A_36 : memref<128xi32, #tpu.memory_space<vmem>>) semaphore(%arg11 : memref<!tpu.dma_semaphore, #tpu.memory_space<semaphore_mem>>)
    %dma_start3A_40 = arith.constant 4 : i32
    %dma_start3A_41 = arith.constant 512 : i32
    %dma_start3A_42 = arith.constant 0 : i32
    %dma_start3A_43 = tpu.memref_slice %arg8[%dma_start3A_41, %dma_start3A_42] : memref<4096x16xf32, #tpu.memory_space<vmem>> -> memref<128x16xf32, #tpu.memory_space<vmem>>
    %dma_start3A_44 = arith.constant 0 : i32
    %dma_start3A_45 = tpu.memref_slice %arg7[%dma_start3A_40, %dma_start3A_44] : memref<32x128xi32, #tpu.memory_space<vmem>> -> memref<1x128xi32, #tpu.memory_space<vmem>>
    %dma_start3A_46 = tpu.memref_squeeze %dma_start3A_45 : memref<1x128xi32, #tpu.memory_space<vmem>> -> memref<128xi32, #tpu.memory_space<vmem>>
    %dma_start3A_47 = arith.constant 0 : i32
    %dma_start3A_48 = arith.constant 0 : i32
    %dma_start3A_49 = tpu.memref_slice %arg2[%dma_start3A_47, %dma_start3A_48] : memref<1000x16xf32, #tpu.memory_space<hbm>> -> memref<1000x16xf32, #tpu.memory_space<hbm>>
    tpu.enqueue_indirect_dma source(%dma_start3A_49 : memref<1000x16xf32, #tpu.memory_space<hbm>>) target(%dma_start3A_43 : memref<128x16xf32, #tpu.memory_space<vmem>>) offsets(%dma_start3A_46 : memref<128xi32, #tpu.memory_space<vmem>>) semaphore(%arg11 : memref<!tpu.dma_semaphore, #tpu.memory_space<semaphore_mem>>)
    %dma_start3A_50 = arith.constant 5 : i32
    %dma_start3A_51 = arith.constant 640 : i32
    %dma_start3A_52 = arith.constant 0 : i32
    %dma_start3A_53 = tpu.memref_slice %arg8[%dma_start3A_51, %dma_start3A_52] : memref<4096x16xf32, #tpu.memory_space<vmem>> -> memref<128x16xf32, #tpu.memory_space<vmem>>
    %dma_start3A_54 = arith.constant 0 : i32
    %dma_start3A_55 = tpu.memref_slice %arg7[%dma_start3A_50, %dma_start3A_54] : memref<32x128xi32, #tpu.memory_space<vmem>> -> memref<1x128xi32, #tpu.memory_space<vmem>>
    %dma_start3A_56 = tpu.memref_squeeze %dma_start3A_55 : memref<1x128xi32, #tpu.memory_space<vmem>> -> memref<128xi32, #tpu.memory_space<vmem>>
    %dma_start3A_57 = arith.constant 0 : i32
    %dma_start3A_58 = arith.constant 0 : i32
    %dma_start3A_59 = tpu.memref_slice %arg2[%dma_start3A_57, %dma_start3A_58] : memref<1000x16xf32, #tpu.memory_space<hbm>> -> memref<1000x16xf32, #tpu.memory_space<hbm>>
    tpu.enqueue_indirect_dma source(%dma_start3A_59 : memref<1000x16xf32, #tpu.memory_space<hbm>>) target(%dma_start3A_53 : memref<128x16xf32, #tpu.memory_space<vmem>>) offsets(%dma_start3A_56 : memref<128xi32, #tpu.memory_space<vmem>>) semaphore(%arg11 : memref<!tpu.dma_semaphore, #tpu.memory_space<semaphore_mem>>)
    %dma_start3A_60 = arith.constant 6 : i32
    %dma_start3A_61 = arith.constant 768 : i32
    %dma_start3A_62 = arith.constant 0 : i32
    %dma_start3A_63 = tpu.memref_slice %arg8[%dma_start3A_61, %dma_start3A_62] : memref<4096x16xf32, #tpu.memory_space<vmem>> -> memref<128x16xf32, #tpu.memory_space<vmem>>
    %dma_start3A_64 = arith.constant 0 : i32
    %dma_start3A_65 = tpu.memref_slice %arg7[%dma_start3A_60, %dma_start3A_64] : memref<32x128xi32, #tpu.memory_space<vmem>> -> memref<1x128xi32, #tpu.memory_space<vmem>>
    %dma_start3A_66 = tpu.memref_squeeze %dma_start3A_65 : memref<1x128xi32, #tpu.memory_space<vmem>> -> memref<128xi32, #tpu.memory_space<vmem>>
    %dma_start3A_67 = arith.constant 0 : i32
    %dma_start3A_68 = arith.constant 0 : i32
    %dma_start3A_69 = tpu.memref_slice %arg2[%dma_start3A_67, %dma_start3A_68] : memref<1000x16xf32, #tpu.memory_space<hbm>> -> memref<1000x16xf32, #tpu.memory_space<hbm>>
    tpu.enqueue_indirect_dma source(%dma_start3A_69 : memref<1000x16xf32, #tpu.memory_space<hbm>>) target(%dma_start3A_63 : memref<128x16xf32, #tpu.memory_space<vmem>>) offsets(%dma_start3A_66 : memref<128xi32, #tpu.memory_space<vmem>>) semaphore(%arg11 : memref<!tpu.dma_semaphore, #tpu.memory_space<semaphore_mem>>)
    %dma_start3A_70 = arith.constant 7 : i32
    %dma_start3A_71 = arith.constant 896 : i32
    %dma_start3A_72 = arith.constant 0 : i32
    %dma_start3A_73 = tpu.memref_slice %arg8[%dma_start3A_71, %dma_start3A_72] : memref<4096x16xf32, #tpu.memory_space<vmem>> -> memref<128x16xf32, #tpu.memory_space<vmem>>
    %dma_start3A_74 = arith.constant 0 : i32
    %dma_start3A_75 = tpu.memref_slice %arg7[%dma_start3A_70, %dma_start3A_74] : memref<32x128xi32, #tpu.memory_space<vmem>> -> memref<1x128xi32, #tpu.memory_space<vmem>>
    %dma_start3A_76 = tpu.memref_squeeze %dma_start3A_75 : memref<1x128xi32, #tpu.memory_space<vmem>> -> memref<128xi32, #tpu.memory_space<vmem>>
    %dma_start3A_77 = arith.constant 0 : i32
    %dma_start3A_78 = arith.constant 0 : i32
    %dma_start3A_79 = tpu.memref_slice %arg2[%dma_start3A_77, %dma_start3A_78] : memref<1000x16xf32, #tpu.memory_space<hbm>> -> memref<1000x16xf32, #tpu.memory_space<hbm>>
    tpu.enqueue_indirect_dma source(%dma_start3A_79 : memref<1000x16xf32, #tpu.memory_space<hbm>>) target(%dma_start3A_73 : memref<128x16xf32, #tpu.memory_space<vmem>>) offsets(%dma_start3A_76 : memref<128xi32, #tpu.memory_space<vmem>>) semaphore(%arg11 : memref<!tpu.dma_semaphore, #tpu.memory_space<semaphore_mem>>)
    %dma_start3A_80 = arith.constant 8 : i32
    %dma_start3A_81 = arith.constant 1024 : i32
    %dma_start3A_82 = arith.constant 0 : i32
    %dma_start3A_83 = tpu.memref_slice %arg8[%dma_start3A_81, %dma_start3A_82] : memref<4096x16xf32, #tpu.memory_space<vmem>> -> memref<128x16xf32, #tpu.memory_space<vmem>>
    %dma_start3A_84 = arith.constant 0 : i32
    %dma_start3A_85 = tpu.memref_slice %arg7[%dma_start3A_80, %dma_start3A_84] : memref<32x128xi32, #tpu.memory_space<vmem>> -> memref<1x128xi32, #tpu.memory_space<vmem>>
    %dma_start3A_86 = tpu.memref_squeeze %dma_start3A_85 : memref<1x128xi32, #tpu.memory_space<vmem>> -> memref<128xi32, #tpu.memory_space<vmem>>
    %dma_start3A_87 = arith.constant 0 : i32
    %dma_start3A_88 = arith.constant 0 : i32
    %dma_start3A_89 = tpu.memref_slice %arg2[%dma_start3A_87, %dma_start3A_88] : memref<1000x16xf32, #tpu.memory_space<hbm>> -> memref<1000x16xf32, #tpu.memory_space<hbm>>
    tpu.enqueue_indirect_dma source(%dma_start3A_89 : memref<1000x16xf32, #tpu.memory_space<hbm>>) target(%dma_start3A_83 : memref<128x16xf32, #tpu.memory_space<vmem>>) offsets(%dma_start3A_86 : memref<128xi32, #tpu.memory_space<vmem>>) semaphore(%arg11 : memref<!tpu.dma_semaphore, #tpu.memory_space<semaphore_mem>>)
    %dma_start3A_90 = arith.constant 9 : i32
    %dma_start3A_91 = arith.constant 1152 : i32
    %dma_start3A_92 = arith.constant 0 : i32
    %dma_start3A_93 = tpu.memref_slice %arg8[%dma_start3A_91, %dma_start3A_92] : memref<4096x16xf32, #tpu.memory_space<vmem>> -> memref<128x16xf32, #tpu.memory_space<vmem>>
    %dma_start3A_94 = arith.constant 0 : i32
    %dma_start3A_95 = tpu.memref_slice %arg7[%dma_start3A_90, %dma_start3A_94] : memref<32x128xi32, #tpu.memory_space<vmem>> -> memref<1x128xi32, #tpu.memory_space<vmem>>
    %dma_start3A_96 = tpu.memref_squeeze %dma_start3A_95 : memref<1x128xi32, #tpu.memory_space<vmem>> -> memref<128xi32, #tpu.memory_space<vmem>>
    %dma_start3A_97 = arith.constant 0 : i32
    %dma_start3A_98 = arith.constant 0 : i32
    %dma_start3A_99 = tpu.memref_slice %arg2[%dma_start3A_97, %dma_start3A_98] : memref<1000x16xf32, #tpu.memory_space<hbm>> -> memref<1000x16xf32, #tpu.memory_space<hbm>>
    tpu.enqueue_indirect_dma source(%dma_start3A_99 : memref<1000x16xf32, #tpu.memory_space<hbm>>) target(%dma_start3A_93 : memref<128x16xf32, #tpu.memory_space<vmem>>) offsets(%dma_start3A_96 : memref<128xi32, #tpu.memory_space<vmem>>) semaphore(%arg11 : memref<!tpu.dma_semaphore, #tpu.memory_space<semaphore_mem>>)
    %dma_start3A_100 = arith.constant 10 : i32
    %dma_start3A_101 = arith.constant 1280 : i32
    %dma_start3A_102 = arith.constant 0 : i32
    %dma_start3A_103 = tpu.memref_slice %arg8[%dma_start3A_101, %dma_start3A_102] : memref<4096x16xf32, #tpu.memory_space<vmem>> -> memref<128x16xf32, #tpu.memory_space<vmem>>
    %dma_start3A_104 = arith.constant 0 : i32
    %dma_start3A_105 = tpu.memref_slice %arg7[%dma_start3A_100, %dma_start3A_104] : memref<32x128xi32, #tpu.memory_space<vmem>> -> memref<1x128xi32, #tpu.memory_space<vmem>>
    %dma_start3A_106 = tpu.memref_squeeze %dma_start3A_105 : memref<1x128xi32, #tpu.memory_space<vmem>> -> memref<128xi32, #tpu.memory_space<vmem>>
    %dma_start3A_107 = arith.constant 0 : i32
    %dma_start3A_108 = arith.constant 0 : i32
    %dma_start3A_109 = tpu.memref_slice %arg2[%dma_start3A_107, %dma_start3A_108] : memref<1000x16xf32, #tpu.memory_space<hbm>> -> memref<1000x16xf32, #tpu.memory_space<hbm>>
    tpu.enqueue_indirect_dma source(%dma_start3A_109 : memref<1000x16xf32, #tpu.memory_space<hbm>>) target(%dma_start3A_103 : memref<128x16xf32, #tpu.memory_space<vmem>>) offsets(%dma_start3A_106 : memref<128xi32, #tpu.memory_space<vmem>>) semaphore(%arg11 : memref<!tpu.dma_semaphore, #tpu.memory_space<semaphore_mem>>)
    %dma_start3A_110 = arith.constant 11 : i32
    %dma_start3A_111 = arith.constant 1408 : i32
    %dma_start3A_112 = arith.constant 0 : i32
    %dma_start3A_113 = tpu.memref_slice %arg8[%dma_start3A_111, %dma_start3A_112] : memref<4096x16xf32, #tpu.memory_space<vmem>> -> memref<128x16xf32, #tpu.memory_space<vmem>>
    %dma_start3A_114 = arith.constant 0 : i32
    %dma_start3A_115 = tpu.memref_slice %arg7[%dma_start3A_110, %dma_start3A_114] : memref<32x128xi32, #tpu.memory_space<vmem>> -> memref<1x128xi32, #tpu.memory_space<vmem>>
    %dma_start3A_116 = tpu.memref_squeeze %dma_start3A_115 : memref<1x128xi32, #tpu.memory_space<vmem>> -> memref<128xi32, #tpu.memory_space<vmem>>
    %dma_start3A_117 = arith.constant 0 : i32
    %dma_start3A_118 = arith.constant 0 : i32
    %dma_start3A_119 = tpu.memref_slice %arg2[%dma_start3A_117, %dma_start3A_118] : memref<1000x16xf32, #tpu.memory_space<hbm>> -> memref<1000x16xf32, #tpu.memory_space<hbm>>
    tpu.enqueue_indirect_dma source(%dma_start3A_119 : memref<1000x16xf32, #tpu.memory_space<hbm>>) target(%dma_start3A_113 : memref<128x16xf32, #tpu.memory_space<vmem>>) offsets(%dma_start3A_116 : memref<128xi32, #tpu.memory_space<vmem>>) semaphore(%arg11 : memref<!tpu.dma_semaphore, #tpu.memory_space<semaphore_mem>>)
    %dma_start3A_120 = arith.constant 12 : i32
    %dma_start3A_121 = arith.constant 1536 : i32
    %dma_start3A_122 = arith.constant 0 : i32
    %dma_start3A_123 = tpu.memref_slice %arg8[%dma_start3A_121, %dma_start3A_122] : memref<4096x16xf32, #tpu.memory_space<vmem>> -> memref<128x16xf32, #tpu.memory_space<vmem>>
    %dma_start3A_124 = arith.constant 0 : i32
    %dma_start3A_125 = tpu.memref_slice %arg7[%dma_start3A_120, %dma_start3A_124] : memref<32x128xi32, #tpu.memory_space<vmem>> -> memref<1x128xi32, #tpu.memory_space<vmem>>
    %dma_start3A_126 = tpu.memref_squeeze %dma_start3A_125 : memref<1x128xi32, #tpu.memory_space<vmem>> -> memref<128xi32, #tpu.memory_space<vmem>>
    %dma_start3A_127 = arith.constant 0 : i32
    %dma_start3A_128 = arith.constant 0 : i32
    %dma_start3A_129 = tpu.memref_slice %arg2[%dma_start3A_127, %dma_start3A_128] : memref<1000x16xf32, #tpu.memory_space<hbm>> -> memref<1000x16xf32, #tpu.memory_space<hbm>>
    tpu.enqueue_indirect_dma source(%dma_start3A_129 : memref<1000x16xf32, #tpu.memory_space<hbm>>) target(%dma_start3A_123 : memref<128x16xf32, #tpu.memory_space<vmem>>) offsets(%dma_start3A_126 : memref<128xi32, #tpu.memory_space<vmem>>) semaphore(%arg11 : memref<!tpu.dma_semaphore, #tpu.memory_space<semaphore_mem>>)
    %dma_start3A_130 = arith.constant 13 : i32
    %dma_start3A_131 = arith.constant 1664 : i32
    %dma_start3A_132 = arith.constant 0 : i32
    %dma_start3A_133 = tpu.memref_slice %arg8[%dma_start3A_131, %dma_start3A_132] : memref<4096x16xf32, #tpu.memory_space<vmem>> -> memref<128x16xf32, #tpu.memory_space<vmem>>
    %dma_start3A_134 = arith.constant 0 : i32
    %dma_start3A_135 = tpu.memref_slice %arg7[%dma_start3A_130, %dma_start3A_134] : memref<32x128xi32, #tpu.memory_space<vmem>> -> memref<1x128xi32, #tpu.memory_space<vmem>>
    %dma_start3A_136 = tpu.memref_squeeze %dma_start3A_135 : memref<1x128xi32, #tpu.memory_space<vmem>> -> memref<128xi32, #tpu.memory_space<vmem>>
    %dma_start3A_137 = arith.constant 0 : i32
    %dma_start3A_138 = arith.constant 0 : i32
    %dma_start3A_139 = tpu.memref_slice %arg2[%dma_start3A_137, %dma_start3A_138] : memref<1000x16xf32, #tpu.memory_space<hbm>> -> memref<1000x16xf32, #tpu.memory_space<hbm>>
    tpu.enqueue_indirect_dma source(%dma_start3A_139 : memref<1000x16xf32, #tpu.memory_space<hbm>>) target(%dma_start3A_133 : memref<128x16xf32, #tpu.memory_space<vmem>>) offsets(%dma_start3A_136 : memref<128xi32, #tpu.memory_space<vmem>>) semaphore(%arg11 : memref<!tpu.dma_semaphore, #tpu.memory_space<semaphore_mem>>)
    %dma_start3A_140 = arith.constant 14 : i32
    %dma_start3A_141 = arith.constant 1792 : i32
    %dma_start3A_142 = arith.constant 0 : i32
    %dma_start3A_143 = tpu.memref_slice %arg8[%dma_start3A_141, %dma_start3A_142] : memref<4096x16xf32, #tpu.memory_space<vmem>> -> memref<128x16xf32, #tpu.memory_space<vmem>>
    %dma_start3A_144 = arith.constant 0 : i32
    %dma_start3A_145 = tpu.memref_slice %arg7[%dma_start3A_140, %dma_start3A_144] : memref<32x128xi32, #tpu.memory_space<vmem>> -> memref<1x128xi32, #tpu.memory_space<vmem>>
    %dma_start3A_146 = tpu.memref_squeeze %dma_start3A_145 : memref<1x128xi32, #tpu.memory_space<vmem>> -> memref<128xi32, #tpu.memory_space<vmem>>
    %dma_start3A_147 = arith.constant 0 : i32
    %dma_start3A_148 = arith.constant 0 : i32
    %dma_start3A_149 = tpu.memref_slice %arg2[%dma_start3A_147, %dma_start3A_148] : memref<1000x16xf32, #tpu.memory_space<hbm>> -> memref<1000x16xf32, #tpu.memory_space<hbm>>
    tpu.enqueue_indirect_dma source(%dma_start3A_149 : memref<1000x16xf32, #tpu.memory_space<hbm>>) target(%dma_start3A_143 : memref<128x16xf32, #tpu.memory_space<vmem>>) offsets(%dma_start3A_146 : memref<128xi32, #tpu.memory_space<vmem>>) semaphore(%arg11 : memref<!tpu.dma_semaphore, #tpu.memory_space<semaphore_mem>>)
    %dma_start3A_150 = arith.constant 15 : i32
    %dma_start3A_151 = arith.constant 1920 : i32
    %dma_start3A_152 = arith.constant 0 : i32
    %dma_start3A_153 = tpu.memref_slice %arg8[%dma_start3A_151, %dma_start3A_152] : memref<4096x16xf32, #tpu.memory_space<vmem>> -> memref<128x16xf32, #tpu.memory_space<vmem>>
    %dma_start3A_154 = arith.constant 0 : i32
    %dma_start3A_155 = tpu.memref_slice %arg7[%dma_start3A_150, %dma_start3A_154] : memref<32x128xi32, #tpu.memory_space<vmem>> -> memref<1x128xi32, #tpu.memory_space<vmem>>
    %dma_start3A_156 = tpu.memref_squeeze %dma_start3A_155 : memref<1x128xi32, #tpu.memory_space<vmem>> -> memref<128xi32, #tpu.memory_space<vmem>>
    %dma_start3A_157 = arith.constant 0 : i32
    %dma_start3A_158 = arith.constant 0 : i32
    %dma_start3A_159 = tpu.memref_slice %arg2[%dma_start3A_157, %dma_start3A_158] : memref<1000x16xf32, #tpu.memory_space<hbm>> -> memref<1000x16xf32, #tpu.memory_space<hbm>>
    tpu.enqueue_indirect_dma source(%dma_start3A_159 : memref<1000x16xf32, #tpu.memory_space<hbm>>) target(%dma_start3A_153 : memref<128x16xf32, #tpu.memory_space<vmem>>) offsets(%dma_start3A_156 : memref<128xi32, #tpu.memory_space<vmem>>) semaphore(%arg11 : memref<!tpu.dma_semaphore, #tpu.memory_space<semaphore_mem>>)
    %dma_start3A_160 = arith.constant 16 : i32
    %dma_start3A_161 = arith.constant 2048 : i32
    %dma_start3A_162 = arith.constant 0 : i32
    %dma_start3A_163 = tpu.memref_slice %arg8[%dma_start3A_161, %dma_start3A_162] : memref<4096x16xf32, #tpu.memory_space<vmem>> -> memref<128x16xf32, #tpu.memory_space<vmem>>
    %dma_start3A_164 = arith.constant 0 : i32
    %dma_start3A_165 = tpu.memref_slice %arg7[%dma_start3A_160, %dma_start3A_164] : memref<32x128xi32, #tpu.memory_space<vmem>> -> memref<1x128xi32, #tpu.memory_space<vmem>>
    %dma_start3A_166 = tpu.memref_squeeze %dma_start3A_165 : memref<1x128xi32, #tpu.memory_space<vmem>> -> memref<128xi32, #tpu.memory_space<vmem>>
    %dma_start3A_167 = arith.constant 0 : i32
    %dma_start3A_168 = arith.constant 0 : i32
    %dma_start3A_169 = tpu.memref_slice %arg2[%dma_start3A_167, %dma_start3A_168] : memref<1000x16xf32, #tpu.memory_space<hbm>> -> memref<1000x16xf32, #tpu.memory_space<hbm>>
    tpu.enqueue_indirect_dma source(%dma_start3A_169 : memref<1000x16xf32, #tpu.memory_space<hbm>>) target(%dma_start3A_163 : memref<128x16xf32, #tpu.memory_space<vmem>>) offsets(%dma_start3A_166 : memref<128xi32, #tpu.memory_space<vmem>>) semaphore(%arg11 : memref<!tpu.dma_semaphore, #tpu.memory_space<semaphore_mem>>)
    %dma_start3A_170 = arith.constant 17 : i32
    %dma_start3A_171 = arith.constant 2176 : i32
    %dma_start3A_172 = arith.constant 0 : i32
    %dma_start3A_173 = tpu.memref_slice %arg8[%dma_start3A_171, %dma_start3A_172] : memref<4096x16xf32, #tpu.memory_space<vmem>> -> memref<128x16xf32, #tpu.memory_space<vmem>>
    %dma_start3A_174 = arith.constant 0 : i32
    %dma_start3A_175 = tpu.memref_slice %arg7[%dma_start3A_170, %dma_start3A_174] : memref<32x128xi32, #tpu.memory_space<vmem>> -> memref<1x128xi32, #tpu.memory_space<vmem>>
    %dma_start3A_176 = tpu.memref_squeeze %dma_start3A_175 : memref<1x128xi32, #tpu.memory_space<vmem>> -> memref<128xi32, #tpu.memory_space<vmem>>
    %dma_start3A_177 = arith.constant 0 : i32
    %dma_start3A_178 = arith.constant 0 : i32
    %dma_start3A_179 = tpu.memref_slice %arg2[%dma_start3A_177, %dma_start3A_178] : memref<1000x16xf32, #tpu.memory_space<hbm>> -> memref<1000x16xf32, #tpu.memory_space<hbm>>
    tpu.enqueue_indirect_dma source(%dma_start3A_179 : memref<1000x16xf32, #tpu.memory_space<hbm>>) target(%dma_start3A_173 : memref<128x16xf32, #tpu.memory_space<vmem>>) offsets(%dma_start3A_176 : memref<128xi32, #tpu.memory_space<vmem>>) semaphore(%arg11 : memref<!tpu.dma_semaphore, #tpu.memory_space<semaphore_mem>>)
    %dma_start3A_180 = arith.constant 18 : i32
    %dma_start3A_181 = arith.constant 2304 : i32
    %dma_start3A_182 = arith.constant 0 : i32
    %dma_start3A_183 = tpu.memref_slice %arg8[%dma_start3A_181, %dma_start3A_182] : memref<4096x16xf32, #tpu.memory_space<vmem>> -> memref<128x16xf32, #tpu.memory_space<vmem>>
    %dma_start3A_184 = arith.constant 0 : i32
    %dma_start3A_185 = tpu.memref_slice %arg7[%dma_start3A_180, %dma_start3A_184] : memref<32x128xi32, #tpu.memory_space<vmem>> -> memref<1x128xi32, #tpu.memory_space<vmem>>
    %dma_start3A_186 = tpu.memref_squeeze %dma_start3A_185 : memref<1x128xi32, #tpu.memory_space<vmem>> -> memref<128xi32, #tpu.memory_space<vmem>>
    %dma_start3A_187 = arith.constant 0 : i32
    %dma_start3A_188 = arith.constant 0 : i32
    %dma_start3A_189 = tpu.memref_slice %arg2[%dma_start3A_187, %dma_start3A_188] : memref<1000x16xf32, #tpu.memory_space<hbm>> -> memref<1000x16xf32, #tpu.memory_space<hbm>>
    tpu.enqueue_indirect_dma source(%dma_start3A_189 : memref<1000x16xf32, #tpu.memory_space<hbm>>) target(%dma_start3A_183 : memref<128x16xf32, #tpu.memory_space<vmem>>) offsets(%dma_start3A_186 : memref<128xi32, #tpu.memory_space<vmem>>) semaphore(%arg11 : memref<!tpu.dma_semaphore, #tpu.memory_space<semaphore_mem>>)
    %dma_start3A_190 = arith.constant 19 : i32
    %dma_start3A_191 = arith.constant 2432 : i32
    %dma_start3A_192 = arith.constant 0 : i32
    %dma_start3A_193 = tpu.memref_slice %arg8[%dma_start3A_191, %dma_start3A_192] : memref<4096x16xf32, #tpu.memory_space<vmem>> -> memref<128x16xf32, #tpu.memory_space<vmem>>
    %dma_start3A_194 = arith.constant 0 : i32
    %dma_start3A_195 = tpu.memref_slice %arg7[%dma_start3A_190, %dma_start3A_194] : memref<32x128xi32, #tpu.memory_space<vmem>> -> memref<1x128xi32, #tpu.memory_space<vmem>>
    %dma_start3A_196 = tpu.memref_squeeze %dma_start3A_195 : memref<1x128xi32, #tpu.memory_space<vmem>> -> memref<128xi32, #tpu.memory_space<vmem>>
    %dma_start3A_197 = arith.constant 0 : i32
    %dma_start3A_198 = arith.constant 0 : i32
    %dma_start3A_199 = tpu.memref_slice %arg2[%dma_start3A_197, %dma_start3A_198] : memref<1000x16xf32, #tpu.memory_space<hbm>> -> memref<1000x16xf32, #tpu.memory_space<hbm>>
    tpu.enqueue_indirect_dma source(%dma_start3A_199 : memref<1000x16xf32, #tpu.memory_space<hbm>>) target(%dma_start3A_193 : memref<128x16xf32, #tpu.memory_space<vmem>>) offsets(%dma_start3A_196 : memref<128xi32, #tpu.memory_space<vmem>>) semaphore(%arg11 : memref<!tpu.dma_semaphore, #tpu.memory_space<semaphore_mem>>)
    %dma_start3A_200 = arith.constant 20 : i32
    %dma_start3A_201 = arith.constant 2560 : i32
    %dma_start3A_202 = arith.constant 0 : i32
    %dma_start3A_203 = tpu.memref_slice %arg8[%dma_start3A_201, %dma_start3A_202] : memref<4096x16xf32, #tpu.memory_space<vmem>> -> memref<128x16xf32, #tpu.memory_space<vmem>>
    %dma_start3A_204 = arith.constant 0 : i32
    %dma_start3A_205 = tpu.memref_slice %arg7[%dma_start3A_200, %dma_start3A_204] : memref<32x128xi32, #tpu.memory_space<vmem>> -> memref<1x128xi32, #tpu.memory_space<vmem>>
    %dma_start3A_206 = tpu.memref_squeeze %dma_start3A_205 : memref<1x128xi32, #tpu.memory_space<vmem>> -> memref<128xi32, #tpu.memory_space<vmem>>
    %dma_start3A_207 = arith.constant 0 : i32
    %dma_start3A_208 = arith.constant 0 : i32
    %dma_start3A_209 = tpu.memref_slice %arg2[%dma_start3A_207, %dma_start3A_208] : memref<1000x16xf32, #tpu.memory_space<hbm>> -> memref<1000x16xf32, #tpu.memory_space<hbm>>
    tpu.enqueue_indirect_dma source(%dma_start3A_209 : memref<1000x16xf32, #tpu.memory_space<hbm>>) target(%dma_start3A_203 : memref<128x16xf32, #tpu.memory_space<vmem>>) offsets(%dma_start3A_206 : memref<128xi32, #tpu.memory_space<vmem>>) semaphore(%arg11 : memref<!tpu.dma_semaphore, #tpu.memory_space<semaphore_mem>>)
    %dma_start3A_210 = arith.constant 21 : i32
    %dma_start3A_211 = arith.constant 2688 : i32
    %dma_start3A_212 = arith.constant 0 : i32
    %dma_start3A_213 = tpu.memref_slice %arg8[%dma_start3A_211, %dma_start3A_212] : memref<4096x16xf32, #tpu.memory_space<vmem>> -> memref<128x16xf32, #tpu.memory_space<vmem>>
    %dma_start3A_214 = arith.constant 0 : i32
    %dma_start3A_215 = tpu.memref_slice %arg7[%dma_start3A_210, %dma_start3A_214] : memref<32x128xi32, #tpu.memory_space<vmem>> -> memref<1x128xi32, #tpu.memory_space<vmem>>
    %dma_start3A_216 = tpu.memref_squeeze %dma_start3A_215 : memref<1x128xi32, #tpu.memory_space<vmem>> -> memref<128xi32, #tpu.memory_space<vmem>>
    %dma_start3A_217 = arith.constant 0 : i32
    %dma_start3A_218 = arith.constant 0 : i32
    %dma_start3A_219 = tpu.memref_slice %arg2[%dma_start3A_217, %dma_start3A_218] : memref<1000x16xf32, #tpu.memory_space<hbm>> -> memref<1000x16xf32, #tpu.memory_space<hbm>>
    tpu.enqueue_indirect_dma source(%dma_start3A_219 : memref<1000x16xf32, #tpu.memory_space<hbm>>) target(%dma_start3A_213 : memref<128x16xf32, #tpu.memory_space<vmem>>) offsets(%dma_start3A_216 : memref<128xi32, #tpu.memory_space<vmem>>) semaphore(%arg11 : memref<!tpu.dma_semaphore, #tpu.memory_space<semaphore_mem>>)
    %dma_start3A_220 = arith.constant 22 : i32
    %dma_start3A_221 = arith.constant 2816 : i32
    %dma_start3A_222 = arith.constant 0 : i32
    %dma_start3A_223 = tpu.memref_slice %arg8[%dma_start3A_221, %dma_start3A_222] : memref<4096x16xf32, #tpu.memory_space<vmem>> -> memref<128x16xf32, #tpu.memory_space<vmem>>
    %dma_start3A_224 = arith.constant 0 : i32
    %dma_start3A_225 = tpu.memref_slice %arg7[%dma_start3A_220, %dma_start3A_224] : memref<32x128xi32, #tpu.memory_space<vmem>> -> memref<1x128xi32, #tpu.memory_space<vmem>>
    %dma_start3A_226 = tpu.memref_squeeze %dma_start3A_225 : memref<1x128xi32, #tpu.memory_space<vmem>> -> memref<128xi32, #tpu.memory_space<vmem>>
    %dma_start3A_227 = arith.constant 0 : i32
    %dma_start3A_228 = arith.constant 0 : i32
    %dma_start3A_229 = tpu.memref_slice %arg2[%dma_start3A_227, %dma_start3A_228] : memref<1000x16xf32, #tpu.memory_space<hbm>> -> memref<1000x16xf32, #tpu.memory_space<hbm>>
    tpu.enqueue_indirect_dma source(%dma_start3A_229 : memref<1000x16xf32, #tpu.memory_space<hbm>>) target(%dma_start3A_223 : memref<128x16xf32, #tpu.memory_space<vmem>>) offsets(%dma_start3A_226 : memref<128xi32, #tpu.memory_space<vmem>>) semaphore(%arg11 : memref<!tpu.dma_semaphore, #tpu.memory_space<semaphore_mem>>)
    %dma_start3A_230 = arith.constant 23 : i32
    %dma_start3A_231 = arith.constant 2944 : i32
    %dma_start3A_232 = arith.constant 0 : i32
    %dma_start3A_233 = tpu.memref_slice %arg8[%dma_start3A_231, %dma_start3A_232] : memref<4096x16xf32, #tpu.memory_space<vmem>> -> memref<128x16xf32, #tpu.memory_space<vmem>>
    %dma_start3A_234 = arith.constant 0 : i32
    %dma_start3A_235 = tpu.memref_slice %arg7[%dma_start3A_230, %dma_start3A_234] : memref<32x128xi32, #tpu.memory_space<vmem>> -> memref<1x128xi32, #tpu.memory_space<vmem>>
    %dma_start3A_236 = tpu.memref_squeeze %dma_start3A_235 : memref<1x128xi32, #tpu.memory_space<vmem>> -> memref<128xi32, #tpu.memory_space<vmem>>
    %dma_start3A_237 = arith.constant 0 : i32
    %dma_start3A_238 = arith.constant 0 : i32
    %dma_start3A_239 = tpu.memref_slice %arg2[%dma_start3A_237, %dma_start3A_238] : memref<1000x16xf32, #tpu.memory_space<hbm>> -> memref<1000x16xf32, #tpu.memory_space<hbm>>
    tpu.enqueue_indirect_dma source(%dma_start3A_239 : memref<1000x16xf32, #tpu.memory_space<hbm>>) target(%dma_start3A_233 : memref<128x16xf32, #tpu.memory_space<vmem>>) offsets(%dma_start3A_236 : memref<128xi32, #tpu.memory_space<vmem>>) semaphore(%arg11 : memref<!tpu.dma_semaphore, #tpu.memory_space<semaphore_mem>>)
    %dma_start3A_240 = arith.constant 24 : i32
    %dma_start3A_241 = arith.constant 3072 : i32
    %dma_start3A_242 = arith.constant 0 : i32
    %dma_start3A_243 = tpu.memref_slice %arg8[%dma_start3A_241, %dma_start3A_242] : memref<4096x16xf32, #tpu.memory_space<vmem>> -> memref<128x16xf32, #tpu.memory_space<vmem>>
    %dma_start3A_244 = arith.constant 0 : i32
    %dma_start3A_245 = tpu.memref_slice %arg7[%dma_start3A_240, %dma_start3A_244] : memref<32x128xi32, #tpu.memory_space<vmem>> -> memref<1x128xi32, #tpu.memory_space<vmem>>
    %dma_start3A_246 = tpu.memref_squeeze %dma_start3A_245 : memref<1x128xi32, #tpu.memory_space<vmem>> -> memref<128xi32, #tpu.memory_space<vmem>>
    %dma_start3A_247 = arith.constant 0 : i32
    %dma_start3A_248 = arith.constant 0 : i32
    %dma_start3A_249 = tpu.memref_slice %arg2[%dma_start3A_247, %dma_start3A_248] : memref<1000x16xf32, #tpu.memory_space<hbm>> -> memref<1000x16xf32, #tpu.memory_space<hbm>>
    tpu.enqueue_indirect_dma source(%dma_start3A_249 : memref<1000x16xf32, #tpu.memory_space<hbm>>) target(%dma_start3A_243 : memref<128x16xf32, #tpu.memory_space<vmem>>) offsets(%dma_start3A_246 : memref<128xi32, #tpu.memory_space<vmem>>) semaphore(%arg11 : memref<!tpu.dma_semaphore, #tpu.memory_space<semaphore_mem>>)
    %dma_start3A_250 = arith.constant 25 : i32
    %dma_start3A_251 = arith.constant 3200 : i32
    %dma_start3A_252 = arith.constant 0 : i32
    %dma_start3A_253 = tpu.memref_slice %arg8[%dma_start3A_251, %dma_start3A_252] : memref<4096x16xf32, #tpu.memory_space<vmem>> -> memref<128x16xf32, #tpu.memory_space<vmem>>
    %dma_start3A_254 = arith.constant 0 : i32
    %dma_start3A_255 = tpu.memref_slice %arg7[%dma_start3A_250, %dma_start3A_254] : memref<32x128xi32, #tpu.memory_space<vmem>> -> memref<1x128xi32, #tpu.memory_space<vmem>>
    %dma_start3A_256 = tpu.memref_squeeze %dma_start3A_255 : memref<1x128xi32, #tpu.memory_space<vmem>> -> memref<128xi32, #tpu.memory_space<vmem>>
    %dma_start3A_257 = arith.constant 0 : i32
    %dma_start3A_258 = arith.constant 0 : i32
    %dma_start3A_259 = tpu.memref_slice %arg2[%dma_start3A_257, %dma_start3A_258] : memref<1000x16xf32, #tpu.memory_space<hbm>> -> memref<1000x16xf32, #tpu.memory_space<hbm>>
    tpu.enqueue_indirect_dma source(%dma_start3A_259 : memref<1000x16xf32, #tpu.memory_space<hbm>>) target(%dma_start3A_253 : memref<128x16xf32, #tpu.memory_space<vmem>>) offsets(%dma_start3A_256 : memref<128xi32, #tpu.memory_space<vmem>>) semaphore(%arg11 : memref<!tpu.dma_semaphore, #tpu.memory_space<semaphore_mem>>)
    %dma_start3A_260 = arith.constant 26 : i32
    %dma_start3A_261 = arith.constant 3328 : i32
    %dma_start3A_262 = arith.constant 0 : i32
    %dma_start3A_263 = tpu.memref_slice %arg8[%dma_start3A_261, %dma_start3A_262] : memref<4096x16xf32, #tpu.memory_space<vmem>> -> memref<128x16xf32, #tpu.memory_space<vmem>>
    %dma_start3A_264 = arith.constant 0 : i32
    %dma_start3A_265 = tpu.memref_slice %arg7[%dma_start3A_260, %dma_start3A_264] : memref<32x128xi32, #tpu.memory_space<vmem>> -> memref<1x128xi32, #tpu.memory_space<vmem>>
    %dma_start3A_266 = tpu.memref_squeeze %dma_start3A_265 : memref<1x128xi32, #tpu.memory_space<vmem>> -> memref<128xi32, #tpu.memory_space<vmem>>
    %dma_start3A_267 = arith.constant 0 : i32
    %dma_start3A_268 = arith.constant 0 : i32
    %dma_start3A_269 = tpu.memref_slice %arg2[%dma_start3A_267, %dma_start3A_268] : memref<1000x16xf32, #tpu.memory_space<hbm>> -> memref<1000x16xf32, #tpu.memory_space<hbm>>
    tpu.enqueue_indirect_dma source(%dma_start3A_269 : memref<1000x16xf32, #tpu.memory_space<hbm>>) target(%dma_start3A_263 : memref<128x16xf32, #tpu.memory_space<vmem>>) offsets(%dma_start3A_266 : memref<128xi32, #tpu.memory_space<vmem>>) semaphore(%arg11 : memref<!tpu.dma_semaphore, #tpu.memory_space<semaphore_mem>>)
    %dma_start3A_270 = arith.constant 27 : i32
    %dma_start3A_271 = arith.constant 3456 : i32
    %dma_start3A_272 = arith.constant 0 : i32
    %dma_start3A_273 = tpu.memref_slice %arg8[%dma_start3A_271, %dma_start3A_272] : memref<4096x16xf32, #tpu.memory_space<vmem>> -> memref<128x16xf32, #tpu.memory_space<vmem>>
    %dma_start3A_274 = arith.constant 0 : i32
    %dma_start3A_275 = tpu.memref_slice %arg7[%dma_start3A_270, %dma_start3A_274] : memref<32x128xi32, #tpu.memory_space<vmem>> -> memref<1x128xi32, #tpu.memory_space<vmem>>
    %dma_start3A_276 = tpu.memref_squeeze %dma_start3A_275 : memref<1x128xi32, #tpu.memory_space<vmem>> -> memref<128xi32, #tpu.memory_space<vmem>>
    %dma_start3A_277 = arith.constant 0 : i32
    %dma_start3A_278 = arith.constant 0 : i32
    %dma_start3A_279 = tpu.memref_slice %arg2[%dma_start3A_277, %dma_start3A_278] : memref<1000x16xf32, #tpu.memory_space<hbm>> -> memref<1000x16xf32, #tpu.memory_space<hbm>>
    tpu.enqueue_indirect_dma source(%dma_start3A_279 : memref<1000x16xf32, #tpu.memory_space<hbm>>) target(%dma_start3A_273 : memref<128x16xf32, #tpu.memory_space<vmem>>) offsets(%dma_start3A_276 : memref<128xi32, #tpu.memory_space<vmem>>) semaphore(%arg11 : memref<!tpu.dma_semaphore, #tpu.memory_space<semaphore_mem>>)
    %dma_start3A_280 = arith.constant 28 : i32
    %dma_start3A_281 = arith.constant 3584 : i32
    %dma_start3A_282 = arith.constant 0 : i32
    %dma_start3A_283 = tpu.memref_slice %arg8[%dma_start3A_281, %dma_start3A_282] : memref<4096x16xf32, #tpu.memory_space<vmem>> -> memref<128x16xf32, #tpu.memory_space<vmem>>
    %dma_start3A_284 = arith.constant 0 : i32
    %dma_start3A_285 = tpu.memref_slice %arg7[%dma_start3A_280, %dma_start3A_284] : memref<32x128xi32, #tpu.memory_space<vmem>> -> memref<1x128xi32, #tpu.memory_space<vmem>>
    %dma_start3A_286 = tpu.memref_squeeze %dma_start3A_285 : memref<1x128xi32, #tpu.memory_space<vmem>> -> memref<128xi32, #tpu.memory_space<vmem>>
    %dma_start3A_287 = arith.constant 0 : i32
    %dma_start3A_288 = arith.constant 0 : i32
    %dma_start3A_289 = tpu.memref_slice %arg2[%dma_start3A_287, %dma_start3A_288] : memref<1000x16xf32, #tpu.memory_space<hbm>> -> memref<1000x16xf32, #tpu.memory_space<hbm>>
    tpu.enqueue_indirect_dma source(%dma_start3A_289 : memref<1000x16xf32, #tpu.memory_space<hbm>>) target(%dma_start3A_283 : memref<128x16xf32, #tpu.memory_space<vmem>>) offsets(%dma_start3A_286 : memref<128xi32, #tpu.memory_space<vmem>>) semaphore(%arg11 : memref<!tpu.dma_semaphore, #tpu.memory_space<semaphore_mem>>)
    %dma_start3A_290 = arith.constant 29 : i32
    %dma_start3A_291 = arith.constant 3712 : i32
    %dma_start3A_292 = arith.constant 0 : i32
    %dma_start3A_293 = tpu.memref_slice %arg8[%dma_start3A_291, %dma_start3A_292] : memref<4096x16xf32, #tpu.memory_space<vmem>> -> memref<128x16xf32, #tpu.memory_space<vmem>>
    %dma_start3A_294 = arith.constant 0 : i32
    %dma_start3A_295 = tpu.memref_slice %arg7[%dma_start3A_290, %dma_start3A_294] : memref<32x128xi32, #tpu.memory_space<vmem>> -> memref<1x128xi32, #tpu.memory_space<vmem>>
    %dma_start3A_296 = tpu.memref_squeeze %dma_start3A_295 : memref<1x128xi32, #tpu.memory_space<vmem>> -> memref<128xi32, #tpu.memory_space<vmem>>
    %dma_start3A_297 = arith.constant 0 : i32
    %dma_start3A_298 = arith.constant 0 : i32
    %dma_start3A_299 = tpu.memref_slice %arg2[%dma_start3A_297, %dma_start3A_298] : memref<1000x16xf32, #tpu.memory_space<hbm>> -> memref<1000x16xf32, #tpu.memory_space<hbm>>
    tpu.enqueue_indirect_dma source(%dma_start3A_299 : memref<1000x16xf32, #tpu.memory_space<hbm>>) target(%dma_start3A_293 : memref<128x16xf32, #tpu.memory_space<vmem>>) offsets(%dma_start3A_296 : memref<128xi32, #tpu.memory_space<vmem>>) semaphore(%arg11 : memref<!tpu.dma_semaphore, #tpu.memory_space<semaphore_mem>>)
    %dma_start3A_300 = arith.constant 30 : i32
    %dma_start3A_301 = arith.constant 3840 : i32
    %dma_start3A_302 = arith.constant 0 : i32
    %dma_start3A_303 = tpu.memref_slice %arg8[%dma_start3A_301, %dma_start3A_302] : memref<4096x16xf32, #tpu.memory_space<vmem>> -> memref<128x16xf32, #tpu.memory_space<vmem>>
    %dma_start3A_304 = arith.constant 0 : i32
    %dma_start3A_305 = tpu.memref_slice %arg7[%dma_start3A_300, %dma_start3A_304] : memref<32x128xi32, #tpu.memory_space<vmem>> -> memref<1x128xi32, #tpu.memory_space<vmem>>
    %dma_start3A_306 = tpu.memref_squeeze %dma_start3A_305 : memref<1x128xi32, #tpu.memory_space<vmem>> -> memref<128xi32, #tpu.memory_space<vmem>>
    %dma_start3A_307 = arith.constant 0 : i32
    %dma_start3A_308 = arith.constant 0 : i32
    %dma_start3A_309 = tpu.memref_slice %arg2[%dma_start3A_307, %dma_start3A_308] : memref<1000x16xf32, #tpu.memory_space<hbm>> -> memref<1000x16xf32, #tpu.memory_space<hbm>>
    tpu.enqueue_indirect_dma source(%dma_start3A_309 : memref<1000x16xf32, #tpu.memory_space<hbm>>) target(%dma_start3A_303 : memref<128x16xf32, #tpu.memory_space<vmem>>) offsets(%dma_start3A_306 : memref<128xi32, #tpu.memory_space<vmem>>) semaphore(%arg11 : memref<!tpu.dma_semaphore, #tpu.memory_space<semaphore_mem>>)
    %dma_start3A_310 = arith.constant 31 : i32
    %dma_start3A_311 = arith.constant 3968 : i32
    %dma_start3A_312 = arith.constant 0 : i32
    %dma_start3A_313 = tpu.memref_slice %arg8[%dma_start3A_311, %dma_start3A_312] : memref<4096x16xf32, #tpu.memory_space<vmem>> -> memref<128x16xf32, #tpu.memory_space<vmem>>
    %dma_start3A_314 = arith.constant 0 : i32
    %dma_start3A_315 = tpu.memref_slice %arg7[%dma_start3A_310, %dma_start3A_314] : memref<32x128xi32, #tpu.memory_space<vmem>> -> memref<1x128xi32, #tpu.memory_space<vmem>>
    %dma_start3A_316 = tpu.memref_squeeze %dma_start3A_315 : memref<1x128xi32, #tpu.memory_space<vmem>> -> memref<128xi32, #tpu.memory_space<vmem>>
    %dma_start3A_317 = arith.constant 0 : i32
    %dma_start3A_318 = arith.constant 0 : i32
    %dma_start3A_319 = tpu.memref_slice %arg2[%dma_start3A_317, %dma_start3A_318] : memref<1000x16xf32, #tpu.memory_space<hbm>> -> memref<1000x16xf32, #tpu.memory_space<hbm>>
    tpu.enqueue_indirect_dma source(%dma_start3A_319 : memref<1000x16xf32, #tpu.memory_space<hbm>>) target(%dma_start3A_313 : memref<128x16xf32, #tpu.memory_space<vmem>>) offsets(%dma_start3A_316 : memref<128xi32, #tpu.memory_space<vmem>>) semaphore(%arg11 : memref<!tpu.dma_semaphore, #tpu.memory_space<semaphore_mem>>)
    "tpu.region"() ({
      %run_scoped3A = tpu.sem_alloc : memref<!tpu.dma_semaphore, #tpu.memory_space<semaphore_mem>>
      tpu.enqueue_dma source(%arg4 : memref<26000xf32, #tpu.memory_space<hbm>>) target(%arg9 : memref<26000xf32, #tpu.memory_space<vmem>>) target_semaphore(%run_scoped3A : memref<!tpu.dma_semaphore, #tpu.memory_space<semaphore_mem>>)
      tpu.wait_dma2 semaphore(%run_scoped3A : memref<!tpu.dma_semaphore, #tpu.memory_space<semaphore_mem>>) src(%arg4 : memref<26000xf32, #tpu.memory_space<hbm>>) dst(%arg9 : memref<26000xf32, #tpu.memory_space<vmem>>)
      tpu.yield
    }) : () -> ()
    %iota3A = tpu.iota {dimensions = array<i32: 0>} : vector<16xi32>
    %scan3A = arith.constant 0 : i32
    %scan3A_320 = arith.constant 32 : i32
    %scan3A_321 = arith.addi %scan3A, %scan3A_320 : i32
    %scan3A_322 = arith.constant 1 : i32
    scf.for %scan3A_643 = %scan3A to %scan3A_321 step %scan3A_322  : i32 {
      %get3A = arith.index_cast %scan3A_643 : i32 to index
      %get3A_644 = arith.constant 0 : index
      %get3A_645 = tpu.vector_load %arg7[%get3A, %get3A_644] {strides = array<i32>} : memref<32x128xi32, #tpu.memory_space<vmem>>, vector<16xi32>,
      %add3A_646 = arith.constant 0 : i32
      %add3A_647 = vector.broadcast %add3A_646 : i32 to vector<16xi32>
      %add3A_648 = arith.addi %add3A_647, %iota3A : vector<16xi32>
      %min3A = arith.constant 25 : i32
      %min3A_649 = vector.broadcast %min3A : i32 to vector<16xi32>
      %min3A_650 = arith.minsi %add3A_648, %min3A_649 : vector<16xi32>
      %mul3A_651 = arith.constant 1000 : i32
      %mul3A_652 = vector.broadcast %mul3A_651 : i32 to vector<16xi32>
      %mul3A_653 = arith.muli %min3A_650, %mul3A_652 : vector<16xi32>
      %add3A_654 = arith.addi %get3A_645, %mul3A_653 : vector<16xi32>
      %gather3A = tpu.vector_load_idx %arg9[%add3A_654] : memref<26000xf32, #tpu.memory_space<vmem>>[vector<16xi32>], vector<16xf32>,
      %mul3A_655 = arith.constant 4 : i32
      %mul3A_656 = arith.muli %scan3A_643, %mul3A_655 : i32
      %add3A_657 = arith.constant 0 : i32
      %add3A_658 = arith.addi %mul3A_656, %add3A_657 : i32
      %swap3A = arith.index_cast %add3A_658 : i32 to index
      %swap3A_659 = arith.constant 0 : index
      %swap3A_660 = tpu.vector_load %arg10[%swap3A, %swap3A_659] {strides = array<i32>} : memref<128x128xf32, #tpu.memory_space<vmem>>, vector<16xf32>,
      tpu.vector_store %arg10[%swap3A, %swap3A_659], %gather3A {strides = array<i32>} : memref<128x128xf32, #tpu.memory_space<vmem>>, vector<16xf32>,
      %get3A_661 = arith.index_cast %scan3A_643 : i32 to index
      %get3A_662 = arith.constant 16 : index
      %get3A_663 = tpu.vector_load %arg7[%get3A_661, %get3A_662] {strides = array<i32>} : memref<32x128xi32, #tpu.memory_space<vmem>>, vector<16xi32>,
      %add3A_664 = arith.constant 16 : i32
      %add3A_665 = vector.broadcast %add3A_664 : i32 to vector<16xi32>
      %add3A_666 = arith.addi %add3A_665, %iota3A : vector<16xi32>
      %min3A_667 = arith.constant 25 : i32
      %min3A_668 = vector.broadcast %min3A_667 : i32 to vector<16xi32>
      %min3A_669 = arith.minsi %add3A_666, %min3A_668 : vector<16xi32>
      %mul3A_670 = arith.constant 1000 : i32
      %mul3A_671 = vector.broadcast %mul3A_670 : i32 to vector<16xi32>
      %mul3A_672 = arith.muli %min3A_669, %mul3A_671 : vector<16xi32>
      %add3A_673 = arith.addi %get3A_663, %mul3A_672 : vector<16xi32>
      %gather3A_674 = tpu.vector_load_idx %arg9[%add3A_673] : memref<26000xf32, #tpu.memory_space<vmem>>[vector<16xi32>], vector<16xf32>,
      %mul3A_675 = arith.constant 4 : i32
      %mul3A_676 = arith.muli %scan3A_643, %mul3A_675 : i32
      %add3A_677 = arith.constant 0 : i32
      %add3A_678 = arith.addi %mul3A_676, %add3A_677 : i32
      %swap3A_679 = arith.index_cast %add3A_678 : i32 to index
      %swap3A_680 = arith.constant 16 : index
      %swap3A_681 = tpu.vector_load %arg10[%swap3A_679, %swap3A_680] {strides = array<i32>} : memref<128x128xf32, #tpu.memory_space<vmem>>, vector<16xf32>,
      tpu.vector_store %arg10[%swap3A_679, %swap3A_680], %gather3A_674 {strides = array<i32>} : memref<128x128xf32, #tpu.memory_space<vmem>>, vector<16xf32>,
      %get3A_682 = arith.index_cast %scan3A_643 : i32 to index
      %get3A_683 = arith.constant 32 : index
      %get3A_684 = tpu.vector_load %arg7[%get3A_682, %get3A_683] {strides = array<i32>} : memref<32x128xi32, #tpu.memory_space<vmem>>, vector<16xi32>,
      %add3A_685 = arith.constant 0 : i32
      %add3A_686 = vector.broadcast %add3A_685 : i32 to vector<16xi32>
      %add3A_687 = arith.addi %add3A_686, %iota3A : vector<16xi32>
      %min3A_688 = arith.constant 25 : i32
      %min3A_689 = vector.broadcast %min3A_688 : i32 to vector<16xi32>
      %min3A_690 = arith.minsi %add3A_687, %min3A_689 : vector<16xi32>
      %mul3A_691 = arith.constant 1000 : i32
      %mul3A_692 = vector.broadcast %mul3A_691 : i32 to vector<16xi32>
      %mul3A_693 = arith.muli %min3A_690, %mul3A_692 : vector<16xi32>
      %add3A_694 = arith.addi %get3A_684, %mul3A_693 : vector<16xi32>
      %gather3A_695 = tpu.vector_load_idx %arg9[%add3A_694] : memref<26000xf32, #tpu.memory_space<vmem>>[vector<16xi32>], vector<16xf32>,
      %mul3A_696 = arith.constant 4 : i32
      %mul3A_697 = arith.muli %scan3A_643, %mul3A_696 : i32
      %add3A_698 = arith.constant 1 : i32
      %add3A_699 = arith.addi %mul3A_697, %add3A_698 : i32
      %swap3A_700 = arith.index_cast %add3A_699 : i32 to index
      %swap3A_701 = arith.constant 0 : index
      %swap3A_702 = tpu.vector_load %arg10[%swap3A_700, %swap3A_701] {strides = array<i32>} : memref<128x128xf32, #tpu.memory_space<vmem>>, vector<16xf32>,
      tpu.vector_store %arg10[%swap3A_700, %swap3A_701], %gather3A_695 {strides = array<i32>} : memref<128x128xf32, #tpu.memory_space<vmem>>, vector<16xf32>,
      %get3A_703 = arith.index_cast %scan3A_643 : i32 to index
      %get3A_704 = arith.constant 48 : index
      %get3A_705 = tpu.vector_load %arg7[%get3A_703, %get3A_704] {strides = array<i32>} : memref<32x128xi32, #tpu.memory_space<vmem>>, vector<16xi32>,
      %add3A_706 = arith.constant 16 : i32
      %add3A_707 = vector.broadcast %add3A_706 : i32 to vector<16xi32>
      %add3A_708 = arith.addi %add3A_707, %iota3A : vector<16xi32>
      %min3A_709 = arith.constant 25 : i32
      %min3A_710 = vector.broadcast %min3A_709 : i32 to vector<16xi32>
      %min3A_711 = arith.minsi %add3A_708, %min3A_710 : vector<16xi32>
      %mul3A_712 = arith.constant 1000 : i32
      %mul3A_713 = vector.broadcast %mul3A_712 : i32 to vector<16xi32>
      %mul3A_714 = arith.muli %min3A_711, %mul3A_713 : vector<16xi32>
      %add3A_715 = arith.addi %get3A_705, %mul3A_714 : vector<16xi32>
      %gather3A_716 = tpu.vector_load_idx %arg9[%add3A_715] : memref<26000xf32, #tpu.memory_space<vmem>>[vector<16xi32>], vector<16xf32>,
      %mul3A_717 = arith.constant 4 : i32
      %mul3A_718 = arith.muli %scan3A_643, %mul3A_717 : i32
      %add3A_719 = arith.constant 1 : i32
      %add3A_720 = arith.addi %mul3A_718, %add3A_719 : i32
      %swap3A_721 = arith.index_cast %add3A_720 : i32 to index
      %swap3A_722 = arith.constant 16 : index
      %swap3A_723 = tpu.vector_load %arg10[%swap3A_721, %swap3A_722] {strides = array<i32>} : memref<128x128xf32, #tpu.memory_space<vmem>>, vector<16xf32>,
      tpu.vector_store %arg10[%swap3A_721, %swap3A_722], %gather3A_716 {strides = array<i32>} : memref<128x128xf32, #tpu.memory_space<vmem>>, vector<16xf32>,
      %get3A_724 = arith.index_cast %scan3A_643 : i32 to index
      %get3A_725 = arith.constant 64 : index
      %get3A_726 = tpu.vector_load %arg7[%get3A_724, %get3A_725] {strides = array<i32>} : memref<32x128xi32, #tpu.memory_space<vmem>>, vector<16xi32>,
      %add3A_727 = arith.constant 0 : i32
      %add3A_728 = vector.broadcast %add3A_727 : i32 to vector<16xi32>
      %add3A_729 = arith.addi %add3A_728, %iota3A : vector<16xi32>
      %min3A_730 = arith.constant 25 : i32
      %min3A_731 = vector.broadcast %min3A_730 : i32 to vector<16xi32>
      %min3A_732 = arith.minsi %add3A_729, %min3A_731 : vector<16xi32>
      %mul3A_733 = arith.constant 1000 : i32
      %mul3A_734 = vector.broadcast %mul3A_733 : i32 to vector<16xi32>
      %mul3A_735 = arith.muli %min3A_732, %mul3A_734 : vector<16xi32>
      %add3A_736 = arith.addi %get3A_726, %mul3A_735 : vector<16xi32>
      %gather3A_737 = tpu.vector_load_idx %arg9[%add3A_736] : memref<26000xf32, #tpu.memory_space<vmem>>[vector<16xi32>], vector<16xf32>,
      %mul3A_738 = arith.constant 4 : i32
      %mul3A_739 = arith.muli %scan3A_643, %mul3A_738 : i32
      %add3A_740 = arith.constant 2 : i32
      %add3A_741 = arith.addi %mul3A_739, %add3A_740 : i32
      %swap3A_742 = arith.index_cast %add3A_741 : i32 to index
      %swap3A_743 = arith.constant 0 : index
      %swap3A_744 = tpu.vector_load %arg10[%swap3A_742, %swap3A_743] {strides = array<i32>} : memref<128x128xf32, #tpu.memory_space<vmem>>, vector<16xf32>,
      tpu.vector_store %arg10[%swap3A_742, %swap3A_743], %gather3A_737 {strides = array<i32>} : memref<128x128xf32, #tpu.memory_space<vmem>>, vector<16xf32>,
      %get3A_745 = arith.index_cast %scan3A_643 : i32 to index
      %get3A_746 = arith.constant 80 : index
      %get3A_747 = tpu.vector_load %arg7[%get3A_745, %get3A_746] {strides = array<i32>} : memref<32x128xi32, #tpu.memory_space<vmem>>, vector<16xi32>,
      %add3A_748 = arith.constant 16 : i32
      %add3A_749 = vector.broadcast %add3A_748 : i32 to vector<16xi32>
      %add3A_750 = arith.addi %add3A_749, %iota3A : vector<16xi32>
      %min3A_751 = arith.constant 25 : i32
      %min3A_752 = vector.broadcast %min3A_751 : i32 to vector<16xi32>
      %min3A_753 = arith.minsi %add3A_750, %min3A_752 : vector<16xi32>
      %mul3A_754 = arith.constant 1000 : i32
      %mul3A_755 = vector.broadcast %mul3A_754 : i32 to vector<16xi32>
      %mul3A_756 = arith.muli %min3A_753, %mul3A_755 : vector<16xi32>
      %add3A_757 = arith.addi %get3A_747, %mul3A_756 : vector<16xi32>
      %gather3A_758 = tpu.vector_load_idx %arg9[%add3A_757] : memref<26000xf32, #tpu.memory_space<vmem>>[vector<16xi32>], vector<16xf32>,
      %mul3A_759 = arith.constant 4 : i32
      %mul3A_760 = arith.muli %scan3A_643, %mul3A_759 : i32
      %add3A_761 = arith.constant 2 : i32
      %add3A_762 = arith.addi %mul3A_760, %add3A_761 : i32
      %swap3A_763 = arith.index_cast %add3A_762 : i32 to index
      %swap3A_764 = arith.constant 16 : index
      %swap3A_765 = tpu.vector_load %arg10[%swap3A_763, %swap3A_764] {strides = array<i32>} : memref<128x128xf32, #tpu.memory_space<vmem>>, vector<16xf32>,
      tpu.vector_store %arg10[%swap3A_763, %swap3A_764], %gather3A_758 {strides = array<i32>} : memref<128x128xf32, #tpu.memory_space<vmem>>, vector<16xf32>,
      %get3A_766 = arith.index_cast %scan3A_643 : i32 to index
      %get3A_767 = arith.constant 96 : index
      %get3A_768 = tpu.vector_load %arg7[%get3A_766, %get3A_767] {strides = array<i32>} : memref<32x128xi32, #tpu.memory_space<vmem>>, vector<16xi32>,
      %add3A_769 = arith.constant 0 : i32
      %add3A_770 = vector.broadcast %add3A_769 : i32 to vector<16xi32>
      %add3A_771 = arith.addi %add3A_770, %iota3A : vector<16xi32>
      %min3A_772 = arith.constant 25 : i32
      %min3A_773 = vector.broadcast %min3A_772 : i32 to vector<16xi32>
      %min3A_774 = arith.minsi %add3A_771, %min3A_773 : vector<16xi32>
      %mul3A_775 = arith.constant 1000 : i32
      %mul3A_776 = vector.broadcast %mul3A_775 : i32 to vector<16xi32>
      %mul3A_777 = arith.muli %min3A_774, %mul3A_776 : vector<16xi32>
      %add3A_778 = arith.addi %get3A_768, %mul3A_777 : vector<16xi32>
      %gather3A_779 = tpu.vector_load_idx %arg9[%add3A_778] : memref<26000xf32, #tpu.memory_space<vmem>>[vector<16xi32>], vector<16xf32>,
      %mul3A_780 = arith.constant 4 : i32
      %mul3A_781 = arith.muli %scan3A_643, %mul3A_780 : i32
      %add3A_782 = arith.constant 3 : i32
      %add3A_783 = arith.addi %mul3A_781, %add3A_782 : i32
      %swap3A_784 = arith.index_cast %add3A_783 : i32 to index
      %swap3A_785 = arith.constant 0 : index
      %swap3A_786 = tpu.vector_load %arg10[%swap3A_784, %swap3A_785] {strides = array<i32>} : memref<128x128xf32, #tpu.memory_space<vmem>>, vector<16xf32>,
      tpu.vector_store %arg10[%swap3A_784, %swap3A_785], %gather3A_779 {strides = array<i32>} : memref<128x128xf32, #tpu.memory_space<vmem>>, vector<16xf32>,
      %get3A_787 = arith.index_cast %scan3A_643 : i32 to index
      %get3A_788 = arith.constant 112 : index
      %get3A_789 = tpu.vector_load %arg7[%get3A_787, %get3A_788] {strides = array<i32>} : memref<32x128xi32, #tpu.memory_space<vmem>>, vector<16xi32>,
      %add3A_790 = arith.constant 16 : i32
      %add3A_791 = vector.broadcast %add3A_790 : i32 to vector<16xi32>
      %add3A_792 = arith.addi %add3A_791, %iota3A : vector<16xi32>
      %min3A_793 = arith.constant 25 : i32
      %min3A_794 = vector.broadcast %min3A_793 : i32 to vector<16xi32>
      %min3A_795 = arith.minsi %add3A_792, %min3A_794 : vector<16xi32>
      %mul3A_796 = arith.constant 1000 : i32
      %mul3A_797 = vector.broadcast %mul3A_796 : i32 to vector<16xi32>
      %mul3A_798 = arith.muli %min3A_795, %mul3A_797 : vector<16xi32>
      %add3A_799 = arith.addi %get3A_789, %mul3A_798 : vector<16xi32>
      %gather3A_800 = tpu.vector_load_idx %arg9[%add3A_799] : memref<26000xf32, #tpu.memory_space<vmem>>[vector<16xi32>], vector<16xf32>,
      %mul3A_801 = arith.constant 4 : i32
      %mul3A_802 = arith.muli %scan3A_643, %mul3A_801 : i32
      %add3A_803 = arith.constant 3 : i32
      %add3A_804 = arith.addi %mul3A_802, %add3A_803 : i32
      %swap3A_805 = arith.index_cast %add3A_804 : i32 to index
      %swap3A_806 = arith.constant 16 : index
      %swap3A_807 = tpu.vector_load %arg10[%swap3A_805, %swap3A_806] {strides = array<i32>} : memref<128x128xf32, #tpu.memory_space<vmem>>, vector<16xf32>,
      tpu.vector_store %arg10[%swap3A_805, %swap3A_806], %gather3A_800 {strides = array<i32>} : memref<128x128xf32, #tpu.memory_space<vmem>>, vector<16xf32>,
    }
    %scan3A_323 = arith.constant 32 : i32
    %dma_wait3A = arith.constant 0 : i32
    %dma_wait3A_324 = arith.constant 0 : i32
    %dma_wait3A_325 = arith.constant 0 : i32
    %dma_wait3A_326 = tpu.memref_slice %arg8[%dma_wait3A_324, %dma_wait3A_325] : memref<4096x16xf32, #tpu.memory_space<vmem>> -> memref<128x16xf32, #tpu.memory_space<vmem>>
    %dma_wait3A_327 = arith.constant 0 : i32
    %dma_wait3A_328 = tpu.memref_slice %arg7[%dma_wait3A, %dma_wait3A_327] : memref<32x128xi32, #tpu.memory_space<vmem>> -> memref<1x128xi32, #tpu.memory_space<vmem>>
    %dma_wait3A_329 = tpu.memref_squeeze %dma_wait3A_328 : memref<1x128xi32, #tpu.memory_space<vmem>> -> memref<128xi32, #tpu.memory_space<vmem>>
    %dma_wait3A_330 = arith.constant 0 : i32
    %dma_wait3A_331 = arith.constant 0 : i32
    %dma_wait3A_332 = tpu.memref_slice %arg2[%dma_wait3A_330, %dma_wait3A_331] : memref<1000x16xf32, #tpu.memory_space<hbm>> -> memref<1000x16xf32, #tpu.memory_space<hbm>>
    tpu.wait_indirect_dma semaphore(%arg11 : memref<!tpu.dma_semaphore, #tpu.memory_space<semaphore_mem>>) src(%dma_wait3A_332 : memref<1000x16xf32, #tpu.memory_space<hbm>>) dst(%dma_wait3A_326 : memref<128x16xf32, #tpu.memory_space<vmem>>)
    %dma_wait3A_333 = arith.constant 1 : i32
    %dma_wait3A_334 = arith.constant 128 : i32
    %dma_wait3A_335 = arith.constant 0 : i32
    %dma_wait3A_336 = tpu.memref_slice %arg8[%dma_wait3A_334, %dma_wait3A_335] : memref<4096x16xf32, #tpu.memory_space<vmem>> -> memref<128x16xf32, #tpu.memory_space<vmem>>
    %dma_wait3A_337 = arith.constant 0 : i32
    %dma_wait3A_338 = tpu.memref_slice %arg7[%dma_wait3A_333, %dma_wait3A_337] : memref<32x128xi32, #tpu.memory_space<vmem>> -> memref<1x128xi32, #tpu.memory_space<vmem>>
    %dma_wait3A_339 = tpu.memref_squeeze %dma_wait3A_338 : memref<1x128xi32, #tpu.memory_space<vmem>> -> memref<128xi32, #tpu.memory_space<vmem>>
    %dma_wait3A_340 = arith.constant 0 : i32
    %dma_wait3A_341 = arith.constant 0 : i32
    %dma_wait3A_342 = tpu.memref_slice %arg2[%dma_wait3A_340, %dma_wait3A_341] : memref<1000x16xf32, #tpu.memory_space<hbm>> -> memref<1000x16xf32, #tpu.memory_space<hbm>>
    tpu.wait_indirect_dma semaphore(%arg11 : memref<!tpu.dma_semaphore, #tpu.memory_space<semaphore_mem>>) src(%dma_wait3A_342 : memref<1000x16xf32, #tpu.memory_space<hbm>>) dst(%dma_wait3A_336 : memref<128x16xf32, #tpu.memory_space<vmem>>)
    %dma_wait3A_343 = arith.constant 2 : i32
    %dma_wait3A_344 = arith.constant 256 : i32
    %dma_wait3A_345 = arith.constant 0 : i32
    %dma_wait3A_346 = tpu.memref_slice %arg8[%dma_wait3A_344, %dma_wait3A_345] : memref<4096x16xf32, #tpu.memory_space<vmem>> -> memref<128x16xf32, #tpu.memory_space<vmem>>
    %dma_wait3A_347 = arith.constant 0 : i32
    %dma_wait3A_348 = tpu.memref_slice %arg7[%dma_wait3A_343, %dma_wait3A_347] : memref<32x128xi32, #tpu.memory_space<vmem>> -> memref<1x128xi32, #tpu.memory_space<vmem>>
    %dma_wait3A_349 = tpu.memref_squeeze %dma_wait3A_348 : memref<1x128xi32, #tpu.memory_space<vmem>> -> memref<128xi32, #tpu.memory_space<vmem>>
    %dma_wait3A_350 = arith.constant 0 : i32
    %dma_wait3A_351 = arith.constant 0 : i32
    %dma_wait3A_352 = tpu.memref_slice %arg2[%dma_wait3A_350, %dma_wait3A_351] : memref<1000x16xf32, #tpu.memory_space<hbm>> -> memref<1000x16xf32, #tpu.memory_space<hbm>>
    tpu.wait_indirect_dma semaphore(%arg11 : memref<!tpu.dma_semaphore, #tpu.memory_space<semaphore_mem>>) src(%dma_wait3A_352 : memref<1000x16xf32, #tpu.memory_space<hbm>>) dst(%dma_wait3A_346 : memref<128x16xf32, #tpu.memory_space<vmem>>)
    %dma_wait3A_353 = arith.constant 3 : i32
    %dma_wait3A_354 = arith.constant 384 : i32
    %dma_wait3A_355 = arith.constant 0 : i32
    %dma_wait3A_356 = tpu.memref_slice %arg8[%dma_wait3A_354, %dma_wait3A_355] : memref<4096x16xf32, #tpu.memory_space<vmem>> -> memref<128x16xf32, #tpu.memory_space<vmem>>
    %dma_wait3A_357 = arith.constant 0 : i32
    %dma_wait3A_358 = tpu.memref_slice %arg7[%dma_wait3A_353, %dma_wait3A_357] : memref<32x128xi32, #tpu.memory_space<vmem>> -> memref<1x128xi32, #tpu.memory_space<vmem>>
    %dma_wait3A_359 = tpu.memref_squeeze %dma_wait3A_358 : memref<1x128xi32, #tpu.memory_space<vmem>> -> memref<128xi32, #tpu.memory_space<vmem>>
    %dma_wait3A_360 = arith.constant 0 : i32
    %dma_wait3A_361 = arith.constant 0 : i32
    %dma_wait3A_362 = tpu.memref_slice %arg2[%dma_wait3A_360, %dma_wait3A_361] : memref<1000x16xf32, #tpu.memory_space<hbm>> -> memref<1000x16xf32, #tpu.memory_space<hbm>>
    tpu.wait_indirect_dma semaphore(%arg11 : memref<!tpu.dma_semaphore, #tpu.memory_space<semaphore_mem>>) src(%dma_wait3A_362 : memref<1000x16xf32, #tpu.memory_space<hbm>>) dst(%dma_wait3A_356 : memref<128x16xf32, #tpu.memory_space<vmem>>)
    %dma_wait3A_363 = arith.constant 4 : i32
    %dma_wait3A_364 = arith.constant 512 : i32
    %dma_wait3A_365 = arith.constant 0 : i32
    %dma_wait3A_366 = tpu.memref_slice %arg8[%dma_wait3A_364, %dma_wait3A_365] : memref<4096x16xf32, #tpu.memory_space<vmem>> -> memref<128x16xf32, #tpu.memory_space<vmem>>
    %dma_wait3A_367 = arith.constant 0 : i32
    %dma_wait3A_368 = tpu.memref_slice %arg7[%dma_wait3A_363, %dma_wait3A_367] : memref<32x128xi32, #tpu.memory_space<vmem>> -> memref<1x128xi32, #tpu.memory_space<vmem>>
    %dma_wait3A_369 = tpu.memref_squeeze %dma_wait3A_368 : memref<1x128xi32, #tpu.memory_space<vmem>> -> memref<128xi32, #tpu.memory_space<vmem>>
    %dma_wait3A_370 = arith.constant 0 : i32
    %dma_wait3A_371 = arith.constant 0 : i32
    %dma_wait3A_372 = tpu.memref_slice %arg2[%dma_wait3A_370, %dma_wait3A_371] : memref<1000x16xf32, #tpu.memory_space<hbm>> -> memref<1000x16xf32, #tpu.memory_space<hbm>>
    tpu.wait_indirect_dma semaphore(%arg11 : memref<!tpu.dma_semaphore, #tpu.memory_space<semaphore_mem>>) src(%dma_wait3A_372 : memref<1000x16xf32, #tpu.memory_space<hbm>>) dst(%dma_wait3A_366 : memref<128x16xf32, #tpu.memory_space<vmem>>)
    %dma_wait3A_373 = arith.constant 5 : i32
    %dma_wait3A_374 = arith.constant 640 : i32
    %dma_wait3A_375 = arith.constant 0 : i32
    %dma_wait3A_376 = tpu.memref_slice %arg8[%dma_wait3A_374, %dma_wait3A_375] : memref<4096x16xf32, #tpu.memory_space<vmem>> -> memref<128x16xf32, #tpu.memory_space<vmem>>
    %dma_wait3A_377 = arith.constant 0 : i32
    %dma_wait3A_378 = tpu.memref_slice %arg7[%dma_wait3A_373, %dma_wait3A_377] : memref<32x128xi32, #tpu.memory_space<vmem>> -> memref<1x128xi32, #tpu.memory_space<vmem>>
    %dma_wait3A_379 = tpu.memref_squeeze %dma_wait3A_378 : memref<1x128xi32, #tpu.memory_space<vmem>> -> memref<128xi32, #tpu.memory_space<vmem>>
    %dma_wait3A_380 = arith.constant 0 : i32
    %dma_wait3A_381 = arith.constant 0 : i32
    %dma_wait3A_382 = tpu.memref_slice %arg2[%dma_wait3A_380, %dma_wait3A_381] : memref<1000x16xf32, #tpu.memory_space<hbm>> -> memref<1000x16xf32, #tpu.memory_space<hbm>>
    tpu.wait_indirect_dma semaphore(%arg11 : memref<!tpu.dma_semaphore, #tpu.memory_space<semaphore_mem>>) src(%dma_wait3A_382 : memref<1000x16xf32, #tpu.memory_space<hbm>>) dst(%dma_wait3A_376 : memref<128x16xf32, #tpu.memory_space<vmem>>)
    %dma_wait3A_383 = arith.constant 6 : i32
    %dma_wait3A_384 = arith.constant 768 : i32
    %dma_wait3A_385 = arith.constant 0 : i32
    %dma_wait3A_386 = tpu.memref_slice %arg8[%dma_wait3A_384, %dma_wait3A_385] : memref<4096x16xf32, #tpu.memory_space<vmem>> -> memref<128x16xf32, #tpu.memory_space<vmem>>
    %dma_wait3A_387 = arith.constant 0 : i32
    %dma_wait3A_388 = tpu.memref_slice %arg7[%dma_wait3A_383, %dma_wait3A_387] : memref<32x128xi32, #tpu.memory_space<vmem>> -> memref<1x128xi32, #tpu.memory_space<vmem>>
    %dma_wait3A_389 = tpu.memref_squeeze %dma_wait3A_388 : memref<1x128xi32, #tpu.memory_space<vmem>> -> memref<128xi32, #tpu.memory_space<vmem>>
    %dma_wait3A_390 = arith.constant 0 : i32
    %dma_wait3A_391 = arith.constant 0 : i32
    %dma_wait3A_392 = tpu.memref_slice %arg2[%dma_wait3A_390, %dma_wait3A_391] : memref<1000x16xf32, #tpu.memory_space<hbm>> -> memref<1000x16xf32, #tpu.memory_space<hbm>>
    tpu.wait_indirect_dma semaphore(%arg11 : memref<!tpu.dma_semaphore, #tpu.memory_space<semaphore_mem>>) src(%dma_wait3A_392 : memref<1000x16xf32, #tpu.memory_space<hbm>>) dst(%dma_wait3A_386 : memref<128x16xf32, #tpu.memory_space<vmem>>)
    %dma_wait3A_393 = arith.constant 7 : i32
    %dma_wait3A_394 = arith.constant 896 : i32
    %dma_wait3A_395 = arith.constant 0 : i32
    %dma_wait3A_396 = tpu.memref_slice %arg8[%dma_wait3A_394, %dma_wait3A_395] : memref<4096x16xf32, #tpu.memory_space<vmem>> -> memref<128x16xf32, #tpu.memory_space<vmem>>
    %dma_wait3A_397 = arith.constant 0 : i32
    %dma_wait3A_398 = tpu.memref_slice %arg7[%dma_wait3A_393, %dma_wait3A_397] : memref<32x128xi32, #tpu.memory_space<vmem>> -> memref<1x128xi32, #tpu.memory_space<vmem>>
    %dma_wait3A_399 = tpu.memref_squeeze %dma_wait3A_398 : memref<1x128xi32, #tpu.memory_space<vmem>> -> memref<128xi32, #tpu.memory_space<vmem>>
    %dma_wait3A_400 = arith.constant 0 : i32
    %dma_wait3A_401 = arith.constant 0 : i32
    %dma_wait3A_402 = tpu.memref_slice %arg2[%dma_wait3A_400, %dma_wait3A_401] : memref<1000x16xf32, #tpu.memory_space<hbm>> -> memref<1000x16xf32, #tpu.memory_space<hbm>>
    tpu.wait_indirect_dma semaphore(%arg11 : memref<!tpu.dma_semaphore, #tpu.memory_space<semaphore_mem>>) src(%dma_wait3A_402 : memref<1000x16xf32, #tpu.memory_space<hbm>>) dst(%dma_wait3A_396 : memref<128x16xf32, #tpu.memory_space<vmem>>)
    %dma_wait3A_403 = arith.constant 8 : i32
    %dma_wait3A_404 = arith.constant 1024 : i32
    %dma_wait3A_405 = arith.constant 0 : i32
    %dma_wait3A_406 = tpu.memref_slice %arg8[%dma_wait3A_404, %dma_wait3A_405] : memref<4096x16xf32, #tpu.memory_space<vmem>> -> memref<128x16xf32, #tpu.memory_space<vmem>>
    %dma_wait3A_407 = arith.constant 0 : i32
    %dma_wait3A_408 = tpu.memref_slice %arg7[%dma_wait3A_403, %dma_wait3A_407] : memref<32x128xi32, #tpu.memory_space<vmem>> -> memref<1x128xi32, #tpu.memory_space<vmem>>
    %dma_wait3A_409 = tpu.memref_squeeze %dma_wait3A_408 : memref<1x128xi32, #tpu.memory_space<vmem>> -> memref<128xi32, #tpu.memory_space<vmem>>
    %dma_wait3A_410 = arith.constant 0 : i32
    %dma_wait3A_411 = arith.constant 0 : i32
    %dma_wait3A_412 = tpu.memref_slice %arg2[%dma_wait3A_410, %dma_wait3A_411] : memref<1000x16xf32, #tpu.memory_space<hbm>> -> memref<1000x16xf32, #tpu.memory_space<hbm>>
    tpu.wait_indirect_dma semaphore(%arg11 : memref<!tpu.dma_semaphore, #tpu.memory_space<semaphore_mem>>) src(%dma_wait3A_412 : memref<1000x16xf32, #tpu.memory_space<hbm>>) dst(%dma_wait3A_406 : memref<128x16xf32, #tpu.memory_space<vmem>>)
    %dma_wait3A_413 = arith.constant 9 : i32
    %dma_wait3A_414 = arith.constant 1152 : i32
    %dma_wait3A_415 = arith.constant 0 : i32
    %dma_wait3A_416 = tpu.memref_slice %arg8[%dma_wait3A_414, %dma_wait3A_415] : memref<4096x16xf32, #tpu.memory_space<vmem>> -> memref<128x16xf32, #tpu.memory_space<vmem>>
    %dma_wait3A_417 = arith.constant 0 : i32
    %dma_wait3A_418 = tpu.memref_slice %arg7[%dma_wait3A_413, %dma_wait3A_417] : memref<32x128xi32, #tpu.memory_space<vmem>> -> memref<1x128xi32, #tpu.memory_space<vmem>>
    %dma_wait3A_419 = tpu.memref_squeeze %dma_wait3A_418 : memref<1x128xi32, #tpu.memory_space<vmem>> -> memref<128xi32, #tpu.memory_space<vmem>>
    %dma_wait3A_420 = arith.constant 0 : i32
    %dma_wait3A_421 = arith.constant 0 : i32
    %dma_wait3A_422 = tpu.memref_slice %arg2[%dma_wait3A_420, %dma_wait3A_421] : memref<1000x16xf32, #tpu.memory_space<hbm>> -> memref<1000x16xf32, #tpu.memory_space<hbm>>
    tpu.wait_indirect_dma semaphore(%arg11 : memref<!tpu.dma_semaphore, #tpu.memory_space<semaphore_mem>>) src(%dma_wait3A_422 : memref<1000x16xf32, #tpu.memory_space<hbm>>) dst(%dma_wait3A_416 : memref<128x16xf32, #tpu.memory_space<vmem>>)
    %dma_wait3A_423 = arith.constant 10 : i32
    %dma_wait3A_424 = arith.constant 1280 : i32
    %dma_wait3A_425 = arith.constant 0 : i32
    %dma_wait3A_426 = tpu.memref_slice %arg8[%dma_wait3A_424, %dma_wait3A_425] : memref<4096x16xf32, #tpu.memory_space<vmem>> -> memref<128x16xf32, #tpu.memory_space<vmem>>
    %dma_wait3A_427 = arith.constant 0 : i32
    %dma_wait3A_428 = tpu.memref_slice %arg7[%dma_wait3A_423, %dma_wait3A_427] : memref<32x128xi32, #tpu.memory_space<vmem>> -> memref<1x128xi32, #tpu.memory_space<vmem>>
    %dma_wait3A_429 = tpu.memref_squeeze %dma_wait3A_428 : memref<1x128xi32, #tpu.memory_space<vmem>> -> memref<128xi32, #tpu.memory_space<vmem>>
    %dma_wait3A_430 = arith.constant 0 : i32
    %dma_wait3A_431 = arith.constant 0 : i32
    %dma_wait3A_432 = tpu.memref_slice %arg2[%dma_wait3A_430, %dma_wait3A_431] : memref<1000x16xf32, #tpu.memory_space<hbm>> -> memref<1000x16xf32, #tpu.memory_space<hbm>>
    tpu.wait_indirect_dma semaphore(%arg11 : memref<!tpu.dma_semaphore, #tpu.memory_space<semaphore_mem>>) src(%dma_wait3A_432 : memref<1000x16xf32, #tpu.memory_space<hbm>>) dst(%dma_wait3A_426 : memref<128x16xf32, #tpu.memory_space<vmem>>)
    %dma_wait3A_433 = arith.constant 11 : i32
    %dma_wait3A_434 = arith.constant 1408 : i32
    %dma_wait3A_435 = arith.constant 0 : i32
    %dma_wait3A_436 = tpu.memref_slice %arg8[%dma_wait3A_434, %dma_wait3A_435] : memref<4096x16xf32, #tpu.memory_space<vmem>> -> memref<128x16xf32, #tpu.memory_space<vmem>>
    %dma_wait3A_437 = arith.constant 0 : i32
    %dma_wait3A_438 = tpu.memref_slice %arg7[%dma_wait3A_433, %dma_wait3A_437] : memref<32x128xi32, #tpu.memory_space<vmem>> -> memref<1x128xi32, #tpu.memory_space<vmem>>
    %dma_wait3A_439 = tpu.memref_squeeze %dma_wait3A_438 : memref<1x128xi32, #tpu.memory_space<vmem>> -> memref<128xi32, #tpu.memory_space<vmem>>
    %dma_wait3A_440 = arith.constant 0 : i32
    %dma_wait3A_441 = arith.constant 0 : i32
    %dma_wait3A_442 = tpu.memref_slice %arg2[%dma_wait3A_440, %dma_wait3A_441] : memref<1000x16xf32, #tpu.memory_space<hbm>> -> memref<1000x16xf32, #tpu.memory_space<hbm>>
    tpu.wait_indirect_dma semaphore(%arg11 : memref<!tpu.dma_semaphore, #tpu.memory_space<semaphore_mem>>) src(%dma_wait3A_442 : memref<1000x16xf32, #tpu.memory_space<hbm>>) dst(%dma_wait3A_436 : memref<128x16xf32, #tpu.memory_space<vmem>>)
    %dma_wait3A_443 = arith.constant 12 : i32
    %dma_wait3A_444 = arith.constant 1536 : i32
    %dma_wait3A_445 = arith.constant 0 : i32
    %dma_wait3A_446 = tpu.memref_slice %arg8[%dma_wait3A_444, %dma_wait3A_445] : memref<4096x16xf32, #tpu.memory_space<vmem>> -> memref<128x16xf32, #tpu.memory_space<vmem>>
    %dma_wait3A_447 = arith.constant 0 : i32
    %dma_wait3A_448 = tpu.memref_slice %arg7[%dma_wait3A_443, %dma_wait3A_447] : memref<32x128xi32, #tpu.memory_space<vmem>> -> memref<1x128xi32, #tpu.memory_space<vmem>>
    %dma_wait3A_449 = tpu.memref_squeeze %dma_wait3A_448 : memref<1x128xi32, #tpu.memory_space<vmem>> -> memref<128xi32, #tpu.memory_space<vmem>>
    %dma_wait3A_450 = arith.constant 0 : i32
    %dma_wait3A_451 = arith.constant 0 : i32
    %dma_wait3A_452 = tpu.memref_slice %arg2[%dma_wait3A_450, %dma_wait3A_451] : memref<1000x16xf32, #tpu.memory_space<hbm>> -> memref<1000x16xf32, #tpu.memory_space<hbm>>
    tpu.wait_indirect_dma semaphore(%arg11 : memref<!tpu.dma_semaphore, #tpu.memory_space<semaphore_mem>>) src(%dma_wait3A_452 : memref<1000x16xf32, #tpu.memory_space<hbm>>) dst(%dma_wait3A_446 : memref<128x16xf32, #tpu.memory_space<vmem>>)
    %dma_wait3A_453 = arith.constant 13 : i32
    %dma_wait3A_454 = arith.constant 1664 : i32
    %dma_wait3A_455 = arith.constant 0 : i32
    %dma_wait3A_456 = tpu.memref_slice %arg8[%dma_wait3A_454, %dma_wait3A_455] : memref<4096x16xf32, #tpu.memory_space<vmem>> -> memref<128x16xf32, #tpu.memory_space<vmem>>
    %dma_wait3A_457 = arith.constant 0 : i32
    %dma_wait3A_458 = tpu.memref_slice %arg7[%dma_wait3A_453, %dma_wait3A_457] : memref<32x128xi32, #tpu.memory_space<vmem>> -> memref<1x128xi32, #tpu.memory_space<vmem>>
    %dma_wait3A_459 = tpu.memref_squeeze %dma_wait3A_458 : memref<1x128xi32, #tpu.memory_space<vmem>> -> memref<128xi32, #tpu.memory_space<vmem>>
    %dma_wait3A_460 = arith.constant 0 : i32
    %dma_wait3A_461 = arith.constant 0 : i32
    %dma_wait3A_462 = tpu.memref_slice %arg2[%dma_wait3A_460, %dma_wait3A_461] : memref<1000x16xf32, #tpu.memory_space<hbm>> -> memref<1000x16xf32, #tpu.memory_space<hbm>>
    tpu.wait_indirect_dma semaphore(%arg11 : memref<!tpu.dma_semaphore, #tpu.memory_space<semaphore_mem>>) src(%dma_wait3A_462 : memref<1000x16xf32, #tpu.memory_space<hbm>>) dst(%dma_wait3A_456 : memref<128x16xf32, #tpu.memory_space<vmem>>)
    %dma_wait3A_463 = arith.constant 14 : i32
    %dma_wait3A_464 = arith.constant 1792 : i32
    %dma_wait3A_465 = arith.constant 0 : i32
    %dma_wait3A_466 = tpu.memref_slice %arg8[%dma_wait3A_464, %dma_wait3A_465] : memref<4096x16xf32, #tpu.memory_space<vmem>> -> memref<128x16xf32, #tpu.memory_space<vmem>>
    %dma_wait3A_467 = arith.constant 0 : i32
    %dma_wait3A_468 = tpu.memref_slice %arg7[%dma_wait3A_463, %dma_wait3A_467] : memref<32x128xi32, #tpu.memory_space<vmem>> -> memref<1x128xi32, #tpu.memory_space<vmem>>
    %dma_wait3A_469 = tpu.memref_squeeze %dma_wait3A_468 : memref<1x128xi32, #tpu.memory_space<vmem>> -> memref<128xi32, #tpu.memory_space<vmem>>
    %dma_wait3A_470 = arith.constant 0 : i32
    %dma_wait3A_471 = arith.constant 0 : i32
    %dma_wait3A_472 = tpu.memref_slice %arg2[%dma_wait3A_470, %dma_wait3A_471] : memref<1000x16xf32, #tpu.memory_space<hbm>> -> memref<1000x16xf32, #tpu.memory_space<hbm>>
    tpu.wait_indirect_dma semaphore(%arg11 : memref<!tpu.dma_semaphore, #tpu.memory_space<semaphore_mem>>) src(%dma_wait3A_472 : memref<1000x16xf32, #tpu.memory_space<hbm>>) dst(%dma_wait3A_466 : memref<128x16xf32, #tpu.memory_space<vmem>>)
    %dma_wait3A_473 = arith.constant 15 : i32
    %dma_wait3A_474 = arith.constant 1920 : i32
    %dma_wait3A_475 = arith.constant 0 : i32
    %dma_wait3A_476 = tpu.memref_slice %arg8[%dma_wait3A_474, %dma_wait3A_475] : memref<4096x16xf32, #tpu.memory_space<vmem>> -> memref<128x16xf32, #tpu.memory_space<vmem>>
    %dma_wait3A_477 = arith.constant 0 : i32
    %dma_wait3A_478 = tpu.memref_slice %arg7[%dma_wait3A_473, %dma_wait3A_477] : memref<32x128xi32, #tpu.memory_space<vmem>> -> memref<1x128xi32, #tpu.memory_space<vmem>>
    %dma_wait3A_479 = tpu.memref_squeeze %dma_wait3A_478 : memref<1x128xi32, #tpu.memory_space<vmem>> -> memref<128xi32, #tpu.memory_space<vmem>>
    %dma_wait3A_480 = arith.constant 0 : i32
    %dma_wait3A_481 = arith.constant 0 : i32
    %dma_wait3A_482 = tpu.memref_slice %arg2[%dma_wait3A_480, %dma_wait3A_481] : memref<1000x16xf32, #tpu.memory_space<hbm>> -> memref<1000x16xf32, #tpu.memory_space<hbm>>
    tpu.wait_indirect_dma semaphore(%arg11 : memref<!tpu.dma_semaphore, #tpu.memory_space<semaphore_mem>>) src(%dma_wait3A_482 : memref<1000x16xf32, #tpu.memory_space<hbm>>) dst(%dma_wait3A_476 : memref<128x16xf32, #tpu.memory_space<vmem>>)
    %dma_wait3A_483 = arith.constant 16 : i32
    %dma_wait3A_484 = arith.constant 2048 : i32
    %dma_wait3A_485 = arith.constant 0 : i32
    %dma_wait3A_486 = tpu.memref_slice %arg8[%dma_wait3A_484, %dma_wait3A_485] : memref<4096x16xf32, #tpu.memory_space<vmem>> -> memref<128x16xf32, #tpu.memory_space<vmem>>
    %dma_wait3A_487 = arith.constant 0 : i32
    %dma_wait3A_488 = tpu.memref_slice %arg7[%dma_wait3A_483, %dma_wait3A_487] : memref<32x128xi32, #tpu.memory_space<vmem>> -> memref<1x128xi32, #tpu.memory_space<vmem>>
    %dma_wait3A_489 = tpu.memref_squeeze %dma_wait3A_488 : memref<1x128xi32, #tpu.memory_space<vmem>> -> memref<128xi32, #tpu.memory_space<vmem>>
    %dma_wait3A_490 = arith.constant 0 : i32
    %dma_wait3A_491 = arith.constant 0 : i32
    %dma_wait3A_492 = tpu.memref_slice %arg2[%dma_wait3A_490, %dma_wait3A_491] : memref<1000x16xf32, #tpu.memory_space<hbm>> -> memref<1000x16xf32, #tpu.memory_space<hbm>>
    tpu.wait_indirect_dma semaphore(%arg11 : memref<!tpu.dma_semaphore, #tpu.memory_space<semaphore_mem>>) src(%dma_wait3A_492 : memref<1000x16xf32, #tpu.memory_space<hbm>>) dst(%dma_wait3A_486 : memref<128x16xf32, #tpu.memory_space<vmem>>)
    %dma_wait3A_493 = arith.constant 17 : i32
    %dma_wait3A_494 = arith.constant 2176 : i32
    %dma_wait3A_495 = arith.constant 0 : i32
    %dma_wait3A_496 = tpu.memref_slice %arg8[%dma_wait3A_494, %dma_wait3A_495] : memref<4096x16xf32, #tpu.memory_space<vmem>> -> memref<128x16xf32, #tpu.memory_space<vmem>>
    %dma_wait3A_497 = arith.constant 0 : i32
    %dma_wait3A_498 = tpu.memref_slice %arg7[%dma_wait3A_493, %dma_wait3A_497] : memref<32x128xi32, #tpu.memory_space<vmem>> -> memref<1x128xi32, #tpu.memory_space<vmem>>
    %dma_wait3A_499 = tpu.memref_squeeze %dma_wait3A_498 : memref<1x128xi32, #tpu.memory_space<vmem>> -> memref<128xi32, #tpu.memory_space<vmem>>
    %dma_wait3A_500 = arith.constant 0 : i32
    %dma_wait3A_501 = arith.constant 0 : i32
    %dma_wait3A_502 = tpu.memref_slice %arg2[%dma_wait3A_500, %dma_wait3A_501] : memref<1000x16xf32, #tpu.memory_space<hbm>> -> memref<1000x16xf32, #tpu.memory_space<hbm>>
    tpu.wait_indirect_dma semaphore(%arg11 : memref<!tpu.dma_semaphore, #tpu.memory_space<semaphore_mem>>) src(%dma_wait3A_502 : memref<1000x16xf32, #tpu.memory_space<hbm>>) dst(%dma_wait3A_496 : memref<128x16xf32, #tpu.memory_space<vmem>>)
    %dma_wait3A_503 = arith.constant 18 : i32
    %dma_wait3A_504 = arith.constant 2304 : i32
    %dma_wait3A_505 = arith.constant 0 : i32
    %dma_wait3A_506 = tpu.memref_slice %arg8[%dma_wait3A_504, %dma_wait3A_505] : memref<4096x16xf32, #tpu.memory_space<vmem>> -> memref<128x16xf32, #tpu.memory_space<vmem>>
    %dma_wait3A_507 = arith.constant 0 : i32
    %dma_wait3A_508 = tpu.memref_slice %arg7[%dma_wait3A_503, %dma_wait3A_507] : memref<32x128xi32, #tpu.memory_space<vmem>> -> memref<1x128xi32, #tpu.memory_space<vmem>>
    %dma_wait3A_509 = tpu.memref_squeeze %dma_wait3A_508 : memref<1x128xi32, #tpu.memory_space<vmem>> -> memref<128xi32, #tpu.memory_space<vmem>>
    %dma_wait3A_510 = arith.constant 0 : i32
    %dma_wait3A_511 = arith.constant 0 : i32
    %dma_wait3A_512 = tpu.memref_slice %arg2[%dma_wait3A_510, %dma_wait3A_511] : memref<1000x16xf32, #tpu.memory_space<hbm>> -> memref<1000x16xf32, #tpu.memory_space<hbm>>
    tpu.wait_indirect_dma semaphore(%arg11 : memref<!tpu.dma_semaphore, #tpu.memory_space<semaphore_mem>>) src(%dma_wait3A_512 : memref<1000x16xf32, #tpu.memory_space<hbm>>) dst(%dma_wait3A_506 : memref<128x16xf32, #tpu.memory_space<vmem>>)
    %dma_wait3A_513 = arith.constant 19 : i32
    %dma_wait3A_514 = arith.constant 2432 : i32
    %dma_wait3A_515 = arith.constant 0 : i32
    %dma_wait3A_516 = tpu.memref_slice %arg8[%dma_wait3A_514, %dma_wait3A_515] : memref<4096x16xf32, #tpu.memory_space<vmem>> -> memref<128x16xf32, #tpu.memory_space<vmem>>
    %dma_wait3A_517 = arith.constant 0 : i32
    %dma_wait3A_518 = tpu.memref_slice %arg7[%dma_wait3A_513, %dma_wait3A_517] : memref<32x128xi32, #tpu.memory_space<vmem>> -> memref<1x128xi32, #tpu.memory_space<vmem>>
    %dma_wait3A_519 = tpu.memref_squeeze %dma_wait3A_518 : memref<1x128xi32, #tpu.memory_space<vmem>> -> memref<128xi32, #tpu.memory_space<vmem>>
    %dma_wait3A_520 = arith.constant 0 : i32
    %dma_wait3A_521 = arith.constant 0 : i32
    %dma_wait3A_522 = tpu.memref_slice %arg2[%dma_wait3A_520, %dma_wait3A_521] : memref<1000x16xf32, #tpu.memory_space<hbm>> -> memref<1000x16xf32, #tpu.memory_space<hbm>>
    tpu.wait_indirect_dma semaphore(%arg11 : memref<!tpu.dma_semaphore, #tpu.memory_space<semaphore_mem>>) src(%dma_wait3A_522 : memref<1000x16xf32, #tpu.memory_space<hbm>>) dst(%dma_wait3A_516 : memref<128x16xf32, #tpu.memory_space<vmem>>)
    %dma_wait3A_523 = arith.constant 20 : i32
    %dma_wait3A_524 = arith.constant 2560 : i32
    %dma_wait3A_525 = arith.constant 0 : i32
    %dma_wait3A_526 = tpu.memref_slice %arg8[%dma_wait3A_524, %dma_wait3A_525] : memref<4096x16xf32, #tpu.memory_space<vmem>> -> memref<128x16xf32, #tpu.memory_space<vmem>>
    %dma_wait3A_527 = arith.constant 0 : i32
    %dma_wait3A_528 = tpu.memref_slice %arg7[%dma_wait3A_523, %dma_wait3A_527] : memref<32x128xi32, #tpu.memory_space<vmem>> -> memref<1x128xi32, #tpu.memory_space<vmem>>
    %dma_wait3A_529 = tpu.memref_squeeze %dma_wait3A_528 : memref<1x128xi32, #tpu.memory_space<vmem>> -> memref<128xi32, #tpu.memory_space<vmem>>
    %dma_wait3A_530 = arith.constant 0 : i32
    %dma_wait3A_531 = arith.constant 0 : i32
    %dma_wait3A_532 = tpu.memref_slice %arg2[%dma_wait3A_530, %dma_wait3A_531] : memref<1000x16xf32, #tpu.memory_space<hbm>> -> memref<1000x16xf32, #tpu.memory_space<hbm>>
    tpu.wait_indirect_dma semaphore(%arg11 : memref<!tpu.dma_semaphore, #tpu.memory_space<semaphore_mem>>) src(%dma_wait3A_532 : memref<1000x16xf32, #tpu.memory_space<hbm>>) dst(%dma_wait3A_526 : memref<128x16xf32, #tpu.memory_space<vmem>>)
    %dma_wait3A_533 = arith.constant 21 : i32
    %dma_wait3A_534 = arith.constant 2688 : i32
    %dma_wait3A_535 = arith.constant 0 : i32
    %dma_wait3A_536 = tpu.memref_slice %arg8[%dma_wait3A_534, %dma_wait3A_535] : memref<4096x16xf32, #tpu.memory_space<vmem>> -> memref<128x16xf32, #tpu.memory_space<vmem>>
    %dma_wait3A_537 = arith.constant 0 : i32
    %dma_wait3A_538 = tpu.memref_slice %arg7[%dma_wait3A_533, %dma_wait3A_537] : memref<32x128xi32, #tpu.memory_space<vmem>> -> memref<1x128xi32, #tpu.memory_space<vmem>>
    %dma_wait3A_539 = tpu.memref_squeeze %dma_wait3A_538 : memref<1x128xi32, #tpu.memory_space<vmem>> -> memref<128xi32, #tpu.memory_space<vmem>>
    %dma_wait3A_540 = arith.constant 0 : i32
    %dma_wait3A_541 = arith.constant 0 : i32
    %dma_wait3A_542 = tpu.memref_slice %arg2[%dma_wait3A_540, %dma_wait3A_541] : memref<1000x16xf32, #tpu.memory_space<hbm>> -> memref<1000x16xf32, #tpu.memory_space<hbm>>
    tpu.wait_indirect_dma semaphore(%arg11 : memref<!tpu.dma_semaphore, #tpu.memory_space<semaphore_mem>>) src(%dma_wait3A_542 : memref<1000x16xf32, #tpu.memory_space<hbm>>) dst(%dma_wait3A_536 : memref<128x16xf32, #tpu.memory_space<vmem>>)
    %dma_wait3A_543 = arith.constant 22 : i32
    %dma_wait3A_544 = arith.constant 2816 : i32
    %dma_wait3A_545 = arith.constant 0 : i32
    %dma_wait3A_546 = tpu.memref_slice %arg8[%dma_wait3A_544, %dma_wait3A_545] : memref<4096x16xf32, #tpu.memory_space<vmem>> -> memref<128x16xf32, #tpu.memory_space<vmem>>
    %dma_wait3A_547 = arith.constant 0 : i32
    %dma_wait3A_548 = tpu.memref_slice %arg7[%dma_wait3A_543, %dma_wait3A_547] : memref<32x128xi32, #tpu.memory_space<vmem>> -> memref<1x128xi32, #tpu.memory_space<vmem>>
    %dma_wait3A_549 = tpu.memref_squeeze %dma_wait3A_548 : memref<1x128xi32, #tpu.memory_space<vmem>> -> memref<128xi32, #tpu.memory_space<vmem>>
    %dma_wait3A_550 = arith.constant 0 : i32
    %dma_wait3A_551 = arith.constant 0 : i32
    %dma_wait3A_552 = tpu.memref_slice %arg2[%dma_wait3A_550, %dma_wait3A_551] : memref<1000x16xf32, #tpu.memory_space<hbm>> -> memref<1000x16xf32, #tpu.memory_space<hbm>>
    tpu.wait_indirect_dma semaphore(%arg11 : memref<!tpu.dma_semaphore, #tpu.memory_space<semaphore_mem>>) src(%dma_wait3A_552 : memref<1000x16xf32, #tpu.memory_space<hbm>>) dst(%dma_wait3A_546 : memref<128x16xf32, #tpu.memory_space<vmem>>)
    %dma_wait3A_553 = arith.constant 23 : i32
    %dma_wait3A_554 = arith.constant 2944 : i32
    %dma_wait3A_555 = arith.constant 0 : i32
    %dma_wait3A_556 = tpu.memref_slice %arg8[%dma_wait3A_554, %dma_wait3A_555] : memref<4096x16xf32, #tpu.memory_space<vmem>> -> memref<128x16xf32, #tpu.memory_space<vmem>>
    %dma_wait3A_557 = arith.constant 0 : i32
    %dma_wait3A_558 = tpu.memref_slice %arg7[%dma_wait3A_553, %dma_wait3A_557] : memref<32x128xi32, #tpu.memory_space<vmem>> -> memref<1x128xi32, #tpu.memory_space<vmem>>
    %dma_wait3A_559 = tpu.memref_squeeze %dma_wait3A_558 : memref<1x128xi32, #tpu.memory_space<vmem>> -> memref<128xi32, #tpu.memory_space<vmem>>
    %dma_wait3A_560 = arith.constant 0 : i32
    %dma_wait3A_561 = arith.constant 0 : i32
    %dma_wait3A_562 = tpu.memref_slice %arg2[%dma_wait3A_560, %dma_wait3A_561] : memref<1000x16xf32, #tpu.memory_space<hbm>> -> memref<1000x16xf32, #tpu.memory_space<hbm>>
    tpu.wait_indirect_dma semaphore(%arg11 : memref<!tpu.dma_semaphore, #tpu.memory_space<semaphore_mem>>) src(%dma_wait3A_562 : memref<1000x16xf32, #tpu.memory_space<hbm>>) dst(%dma_wait3A_556 : memref<128x16xf32, #tpu.memory_space<vmem>>)
    %dma_wait3A_563 = arith.constant 24 : i32
    %dma_wait3A_564 = arith.constant 3072 : i32
    %dma_wait3A_565 = arith.constant 0 : i32
    %dma_wait3A_566 = tpu.memref_slice %arg8[%dma_wait3A_564, %dma_wait3A_565] : memref<4096x16xf32, #tpu.memory_space<vmem>> -> memref<128x16xf32, #tpu.memory_space<vmem>>
    %dma_wait3A_567 = arith.constant 0 : i32
    %dma_wait3A_568 = tpu.memref_slice %arg7[%dma_wait3A_563, %dma_wait3A_567] : memref<32x128xi32, #tpu.memory_space<vmem>> -> memref<1x128xi32, #tpu.memory_space<vmem>>
    %dma_wait3A_569 = tpu.memref_squeeze %dma_wait3A_568 : memref<1x128xi32, #tpu.memory_space<vmem>> -> memref<128xi32, #tpu.memory_space<vmem>>
    %dma_wait3A_570 = arith.constant 0 : i32
    %dma_wait3A_571 = arith.constant 0 : i32
    %dma_wait3A_572 = tpu.memref_slice %arg2[%dma_wait3A_570, %dma_wait3A_571] : memref<1000x16xf32, #tpu.memory_space<hbm>> -> memref<1000x16xf32, #tpu.memory_space<hbm>>
    tpu.wait_indirect_dma semaphore(%arg11 : memref<!tpu.dma_semaphore, #tpu.memory_space<semaphore_mem>>) src(%dma_wait3A_572 : memref<1000x16xf32, #tpu.memory_space<hbm>>) dst(%dma_wait3A_566 : memref<128x16xf32, #tpu.memory_space<vmem>>)
    %dma_wait3A_573 = arith.constant 25 : i32
    %dma_wait3A_574 = arith.constant 3200 : i32
    %dma_wait3A_575 = arith.constant 0 : i32
    %dma_wait3A_576 = tpu.memref_slice %arg8[%dma_wait3A_574, %dma_wait3A_575] : memref<4096x16xf32, #tpu.memory_space<vmem>> -> memref<128x16xf32, #tpu.memory_space<vmem>>
    %dma_wait3A_577 = arith.constant 0 : i32
    %dma_wait3A_578 = tpu.memref_slice %arg7[%dma_wait3A_573, %dma_wait3A_577] : memref<32x128xi32, #tpu.memory_space<vmem>> -> memref<1x128xi32, #tpu.memory_space<vmem>>
    %dma_wait3A_579 = tpu.memref_squeeze %dma_wait3A_578 : memref<1x128xi32, #tpu.memory_space<vmem>> -> memref<128xi32, #tpu.memory_space<vmem>>
    %dma_wait3A_580 = arith.constant 0 : i32
    %dma_wait3A_581 = arith.constant 0 : i32
    %dma_wait3A_582 = tpu.memref_slice %arg2[%dma_wait3A_580, %dma_wait3A_581] : memref<1000x16xf32, #tpu.memory_space<hbm>> -> memref<1000x16xf32, #tpu.memory_space<hbm>>
    tpu.wait_indirect_dma semaphore(%arg11 : memref<!tpu.dma_semaphore, #tpu.memory_space<semaphore_mem>>) src(%dma_wait3A_582 : memref<1000x16xf32, #tpu.memory_space<hbm>>) dst(%dma_wait3A_576 : memref<128x16xf32, #tpu.memory_space<vmem>>)
    %dma_wait3A_583 = arith.constant 26 : i32
    %dma_wait3A_584 = arith.constant 3328 : i32
    %dma_wait3A_585 = arith.constant 0 : i32
    %dma_wait3A_586 = tpu.memref_slice %arg8[%dma_wait3A_584, %dma_wait3A_585] : memref<4096x16xf32, #tpu.memory_space<vmem>> -> memref<128x16xf32, #tpu.memory_space<vmem>>
    %dma_wait3A_587 = arith.constant 0 : i32
    %dma_wait3A_588 = tpu.memref_slice %arg7[%dma_wait3A_583, %dma_wait3A_587] : memref<32x128xi32, #tpu.memory_space<vmem>> -> memref<1x128xi32, #tpu.memory_space<vmem>>
    %dma_wait3A_589 = tpu.memref_squeeze %dma_wait3A_588 : memref<1x128xi32, #tpu.memory_space<vmem>> -> memref<128xi32, #tpu.memory_space<vmem>>
    %dma_wait3A_590 = arith.constant 0 : i32
    %dma_wait3A_591 = arith.constant 0 : i32
    %dma_wait3A_592 = tpu.memref_slice %arg2[%dma_wait3A_590, %dma_wait3A_591] : memref<1000x16xf32, #tpu.memory_space<hbm>> -> memref<1000x16xf32, #tpu.memory_space<hbm>>
    tpu.wait_indirect_dma semaphore(%arg11 : memref<!tpu.dma_semaphore, #tpu.memory_space<semaphore_mem>>) src(%dma_wait3A_592 : memref<1000x16xf32, #tpu.memory_space<hbm>>) dst(%dma_wait3A_586 : memref<128x16xf32, #tpu.memory_space<vmem>>)
    %dma_wait3A_593 = arith.constant 27 : i32
    %dma_wait3A_594 = arith.constant 3456 : i32
    %dma_wait3A_595 = arith.constant 0 : i32
    %dma_wait3A_596 = tpu.memref_slice %arg8[%dma_wait3A_594, %dma_wait3A_595] : memref<4096x16xf32, #tpu.memory_space<vmem>> -> memref<128x16xf32, #tpu.memory_space<vmem>>
    %dma_wait3A_597 = arith.constant 0 : i32
    %dma_wait3A_598 = tpu.memref_slice %arg7[%dma_wait3A_593, %dma_wait3A_597] : memref<32x128xi32, #tpu.memory_space<vmem>> -> memref<1x128xi32, #tpu.memory_space<vmem>>
    %dma_wait3A_599 = tpu.memref_squeeze %dma_wait3A_598 : memref<1x128xi32, #tpu.memory_space<vmem>> -> memref<128xi32, #tpu.memory_space<vmem>>
    %dma_wait3A_600 = arith.constant 0 : i32
    %dma_wait3A_601 = arith.constant 0 : i32
    %dma_wait3A_602 = tpu.memref_slice %arg2[%dma_wait3A_600, %dma_wait3A_601] : memref<1000x16xf32, #tpu.memory_space<hbm>> -> memref<1000x16xf32, #tpu.memory_space<hbm>>
    tpu.wait_indirect_dma semaphore(%arg11 : memref<!tpu.dma_semaphore, #tpu.memory_space<semaphore_mem>>) src(%dma_wait3A_602 : memref<1000x16xf32, #tpu.memory_space<hbm>>) dst(%dma_wait3A_596 : memref<128x16xf32, #tpu.memory_space<vmem>>)
    %dma_wait3A_603 = arith.constant 28 : i32
    %dma_wait3A_604 = arith.constant 3584 : i32
    %dma_wait3A_605 = arith.constant 0 : i32
    %dma_wait3A_606 = tpu.memref_slice %arg8[%dma_wait3A_604, %dma_wait3A_605] : memref<4096x16xf32, #tpu.memory_space<vmem>> -> memref<128x16xf32, #tpu.memory_space<vmem>>
    %dma_wait3A_607 = arith.constant 0 : i32
    %dma_wait3A_608 = tpu.memref_slice %arg7[%dma_wait3A_603, %dma_wait3A_607] : memref<32x128xi32, #tpu.memory_space<vmem>> -> memref<1x128xi32, #tpu.memory_space<vmem>>
    %dma_wait3A_609 = tpu.memref_squeeze %dma_wait3A_608 : memref<1x128xi32, #tpu.memory_space<vmem>> -> memref<128xi32, #tpu.memory_space<vmem>>
    %dma_wait3A_610 = arith.constant 0 : i32
    %dma_wait3A_611 = arith.constant 0 : i32
    %dma_wait3A_612 = tpu.memref_slice %arg2[%dma_wait3A_610, %dma_wait3A_611] : memref<1000x16xf32, #tpu.memory_space<hbm>> -> memref<1000x16xf32, #tpu.memory_space<hbm>>
    tpu.wait_indirect_dma semaphore(%arg11 : memref<!tpu.dma_semaphore, #tpu.memory_space<semaphore_mem>>) src(%dma_wait3A_612 : memref<1000x16xf32, #tpu.memory_space<hbm>>) dst(%dma_wait3A_606 : memref<128x16xf32, #tpu.memory_space<vmem>>)
    %dma_wait3A_613 = arith.constant 29 : i32
    %dma_wait3A_614 = arith.constant 3712 : i32
    %dma_wait3A_615 = arith.constant 0 : i32
    %dma_wait3A_616 = tpu.memref_slice %arg8[%dma_wait3A_614, %dma_wait3A_615] : memref<4096x16xf32, #tpu.memory_space<vmem>> -> memref<128x16xf32, #tpu.memory_space<vmem>>
    %dma_wait3A_617 = arith.constant 0 : i32
    %dma_wait3A_618 = tpu.memref_slice %arg7[%dma_wait3A_613, %dma_wait3A_617] : memref<32x128xi32, #tpu.memory_space<vmem>> -> memref<1x128xi32, #tpu.memory_space<vmem>>
    %dma_wait3A_619 = tpu.memref_squeeze %dma_wait3A_618 : memref<1x128xi32, #tpu.memory_space<vmem>> -> memref<128xi32, #tpu.memory_space<vmem>>
    %dma_wait3A_620 = arith.constant 0 : i32
    %dma_wait3A_621 = arith.constant 0 : i32
    %dma_wait3A_622 = tpu.memref_slice %arg2[%dma_wait3A_620, %dma_wait3A_621] : memref<1000x16xf32, #tpu.memory_space<hbm>> -> memref<1000x16xf32, #tpu.memory_space<hbm>>
    tpu.wait_indirect_dma semaphore(%arg11 : memref<!tpu.dma_semaphore, #tpu.memory_space<semaphore_mem>>) src(%dma_wait3A_622 : memref<1000x16xf32, #tpu.memory_space<hbm>>) dst(%dma_wait3A_616 : memref<128x16xf32, #tpu.memory_space<vmem>>)
    %dma_wait3A_623 = arith.constant 30 : i32
    %dma_wait3A_624 = arith.constant 3840 : i32
    %dma_wait3A_625 = arith.constant 0 : i32
    %dma_wait3A_626 = tpu.memref_slice %arg8[%dma_wait3A_624, %dma_wait3A_625] : memref<4096x16xf32, #tpu.memory_space<vmem>> -> memref<128x16xf32, #tpu.memory_space<vmem>>
    %dma_wait3A_627 = arith.constant 0 : i32
    %dma_wait3A_628 = tpu.memref_slice %arg7[%dma_wait3A_623, %dma_wait3A_627] : memref<32x128xi32, #tpu.memory_space<vmem>> -> memref<1x128xi32, #tpu.memory_space<vmem>>
    %dma_wait3A_629 = tpu.memref_squeeze %dma_wait3A_628 : memref<1x128xi32, #tpu.memory_space<vmem>> -> memref<128xi32, #tpu.memory_space<vmem>>
    %dma_wait3A_630 = arith.constant 0 : i32
    %dma_wait3A_631 = arith.constant 0 : i32
    %dma_wait3A_632 = tpu.memref_slice %arg2[%dma_wait3A_630, %dma_wait3A_631] : memref<1000x16xf32, #tpu.memory_space<hbm>> -> memref<1000x16xf32, #tpu.memory_space<hbm>>
    tpu.wait_indirect_dma semaphore(%arg11 : memref<!tpu.dma_semaphore, #tpu.memory_space<semaphore_mem>>) src(%dma_wait3A_632 : memref<1000x16xf32, #tpu.memory_space<hbm>>) dst(%dma_wait3A_626 : memref<128x16xf32, #tpu.memory_space<vmem>>)
    %dma_wait3A_633 = arith.constant 31 : i32
    %dma_wait3A_634 = arith.constant 3968 : i32
    %dma_wait3A_635 = arith.constant 0 : i32
    %dma_wait3A_636 = tpu.memref_slice %arg8[%dma_wait3A_634, %dma_wait3A_635] : memref<4096x16xf32, #tpu.memory_space<vmem>> -> memref<128x16xf32, #tpu.memory_space<vmem>>
    %dma_wait3A_637 = arith.constant 0 : i32
    %dma_wait3A_638 = tpu.memref_slice %arg7[%dma_wait3A_633, %dma_wait3A_637] : memref<32x128xi32, #tpu.memory_space<vmem>> -> memref<1x128xi32, #tpu.memory_space<vmem>>
    %dma_wait3A_639 = tpu.memref_squeeze %dma_wait3A_638 : memref<1x128xi32, #tpu.memory_space<vmem>> -> memref<128xi32, #tpu.memory_space<vmem>>
    %dma_wait3A_640 = arith.constant 0 : i32
    %dma_wait3A_641 = arith.constant 0 : i32
    %dma_wait3A_642 = tpu.memref_slice %arg2[%dma_wait3A_640, %dma_wait3A_641] : memref<1000x16xf32, #tpu.memory_space<hbm>> -> memref<1000x16xf32, #tpu.memory_space<hbm>>
    tpu.wait_indirect_dma semaphore(%arg11 : memref<!tpu.dma_semaphore, #tpu.memory_space<semaphore_mem>>) src(%dma_wait3A_642 : memref<1000x16xf32, #tpu.memory_space<hbm>>) dst(%dma_wait3A_636 : memref<128x16xf32, #tpu.memory_space<vmem>>)
    "tpu.region"() ({
      %run_scoped3A = tpu.sem_alloc : memref<!tpu.dma_semaphore, #tpu.memory_space<semaphore_mem>>
      %dma_start3A_643 = arith.constant 0 : i32
      %dma_start3A_644 = arith.constant 0 : i32
      %dma_start3A_645 = tpu.memref_slice %arg5[%add3A, %dma_start3A_643, %dma_start3A_644] : memref<32x4096x16xf32, #tpu.memory_space<hbm>> -> memref<1x4096x16xf32, #tpu.memory_space<hbm>>
      %dma_start3A_646 = tpu.memref_squeeze %dma_start3A_645 : memref<1x4096x16xf32, #tpu.memory_space<hbm>> -> memref<4096x16xf32, #tpu.memory_space<hbm>>
      %dma_start3A_647 = arith.constant 0 : i32
      %dma_start3A_648 = arith.constant 0 : i32
      %dma_start3A_649 = tpu.memref_slice %arg5[%add3A, %dma_start3A_647, %dma_start3A_648] : memref<32x4096x16xf32, #tpu.memory_space<hbm>> -> memref<1x4096x16xf32, #tpu.memory_space<hbm>>
      %dma_start3A_650 = tpu.memref_squeeze %dma_start3A_649 : memref<1x4096x16xf32, #tpu.memory_space<hbm>> -> memref<4096x16xf32, #tpu.memory_space<hbm>>
      tpu.enqueue_dma source(%arg8 : memref<4096x16xf32, #tpu.memory_space<vmem>>) target(%dma_start3A_650 : memref<4096x16xf32, #tpu.memory_space<hbm>>) target_semaphore(%run_scoped3A : memref<!tpu.dma_semaphore, #tpu.memory_space<semaphore_mem>>)
      %dma_wait3A_651 = arith.constant 0 : i32
      %dma_wait3A_652 = arith.constant 0 : i32
      %dma_wait3A_653 = tpu.memref_slice %arg5[%add3A, %dma_wait3A_651, %dma_wait3A_652] : memref<32x4096x16xf32, #tpu.memory_space<hbm>> -> memref<1x4096x16xf32, #tpu.memory_space<hbm>>
      %dma_wait3A_654 = tpu.memref_squeeze %dma_wait3A_653 : memref<1x4096x16xf32, #tpu.memory_space<hbm>> -> memref<4096x16xf32, #tpu.memory_space<hbm>>
      %dma_wait3A_655 = arith.constant 0 : i32
      %dma_wait3A_656 = arith.constant 0 : i32
      %dma_wait3A_657 = tpu.memref_slice %arg5[%add3A, %dma_wait3A_655, %dma_wait3A_656] : memref<32x4096x16xf32, #tpu.memory_space<hbm>> -> memref<1x4096x16xf32, #tpu.memory_space<hbm>>
      %dma_wait3A_658 = tpu.memref_squeeze %dma_wait3A_657 : memref<1x4096x16xf32, #tpu.memory_space<hbm>> -> memref<4096x16xf32, #tpu.memory_space<hbm>>
      tpu.wait_dma2 semaphore(%run_scoped3A : memref<!tpu.dma_semaphore, #tpu.memory_space<semaphore_mem>>) src(%arg8 : memref<4096x16xf32, #tpu.memory_space<vmem>>) dst(%dma_wait3A_658 : memref<4096x16xf32, #tpu.memory_space<hbm>>)
      tpu.yield
    }) : () -> ()
    "tpu.region"() ({
      %run_scoped3A = tpu.sem_alloc : memref<!tpu.dma_semaphore, #tpu.memory_space<semaphore_mem>>
      %dma_start3A_643 = arith.constant 0 : i32
      %dma_start3A_644 = arith.constant 0 : i32
      %dma_start3A_645 = tpu.memref_slice %arg6[%add3A, %dma_start3A_643, %dma_start3A_644] : memref<32x128x128xf32, #tpu.memory_space<hbm>> -> memref<1x128x128xf32, #tpu.memory_space<hbm>>
      %dma_start3A_646 = tpu.memref_squeeze %dma_start3A_645 : memref<1x128x128xf32, #tpu.memory_space<hbm>> -> memref<128x128xf32, #tpu.memory_space<hbm>>
      %dma_start3A_647 = arith.constant 0 : i32
      %dma_start3A_648 = arith.constant 0 : i32
      %dma_start3A_649 = tpu.memref_slice %arg6[%add3A, %dma_start3A_647, %dma_start3A_648] : memref<32x128x128xf32, #tpu.memory_space<hbm>> -> memref<1x128x128xf32, #tpu.memory_space<hbm>>
      %dma_start3A_650 = tpu.memref_squeeze %dma_start3A_649 : memref<1x128x128xf32, #tpu.memory_space<hbm>> -> memref<128x128xf32, #tpu.memory_space<hbm>>
      tpu.enqueue_dma source(%arg10 : memref<128x128xf32, #tpu.memory_space<vmem>>) target(%dma_start3A_650 : memref<128x128xf32, #tpu.memory_space<hbm>>) target_semaphore(%run_scoped3A : memref<!tpu.dma_semaphore, #tpu.memory_space<semaphore_mem>>)
      %dma_wait3A_651 = arith.constant 0 : i32
      %dma_wait3A_652 = arith.constant 0 : i32
      %dma_wait3A_653 = tpu.memref_slice %arg6[%add3A, %dma_wait3A_651, %dma_wait3A_652] : memref<32x128x128xf32, #tpu.memory_space<hbm>> -> memref<1x128x128xf32, #tpu.memory_space<hbm>>
      %dma_wait3A_654 = tpu.memref_squeeze %dma_wait3A_653 : memref<1x128x128xf32, #tpu.memory_space<hbm>> -> memref<128x128xf32, #tpu.memory_space<hbm>>
      %dma_wait3A_655 = arith.constant 0 : i32
      %dma_wait3A_656 = arith.constant 0 : i32
      %dma_wait3A_657 = tpu.memref_slice %arg6[%add3A, %dma_wait3A_655, %dma_wait3A_656] : memref<32x128x128xf32, #tpu.memory_space<hbm>> -> memref<1x128x128xf32, #tpu.memory_space<hbm>>
      %dma_wait3A_658 = tpu.memref_squeeze %dma_wait3A_657 : memref<1x128x128xf32, #tpu.memory_space<hbm>> -> memref<128x128xf32, #tpu.memory_space<hbm>>
      tpu.wait_dma2 semaphore(%run_scoped3A : memref<!tpu.dma_semaphore, #tpu.memory_space<semaphore_mem>>) src(%arg10 : memref<128x128xf32, #tpu.memory_space<vmem>>) dst(%dma_wait3A_658 : memref<128x128xf32, #tpu.memory_space<hbm>>)
      tpu.yield
    }) : () -> ()
    return
  }
}

module attributes {stable_mosaic.version = 14 : i64} {
  func.func @_tc_body(%arg0: i32, %arg1: memref<4096x128xf32, #tpu.memory_space<vmem>>, %arg2: memref<1024x128xf32, #tpu.memory_space<vmem>>, %arg3: memref<512x400xbf16, #tpu.memory_space<vmem>>, %arg4: memref<1x400xf32, #tpu.memory_space<vmem>>, %arg5: memref<400x400xbf16, #tpu.memory_space<vmem>>, %arg6: memref<1x400xf32, #tpu.memory_space<vmem>>, %arg7: memref<400x400xbf16, #tpu.memory_space<vmem>>, %arg8: memref<1x400xf32, #tpu.memory_space<vmem>>, %arg9: memref<1x400xf32, #tpu.memory_space<vmem>>, %arg10: memref<1x1xf32, #tpu.memory_space<vmem>>, %arg11: memref<1x1xf32, #tpu.memory_space<vmem>>, %arg12: memref<32x128xf32, #tpu.memory_space<vmem>>, %arg13: memref<1xf32, #tpu.memory_space<smem>>, %arg14: memref<4096xf32, #tpu.memory_space<vmem>>) attributes {dimension_semantics = [#tpu.dimension_semantics<arbitrary>], iteration_bounds = array<i64: 5>, scalar_prefetch = 0 : i64, scratch_operands = 2 : i64, tpu.core_type = #tpu.core_type<tc>, window_params = [{transform_indices = @transform_0, window_bounds = array<i64: 4096, 128>}, {transform_indices = @transform_1, window_bounds = array<i64: 1024, 128>}, {pipeline_mode = #tpu.pipeline_mode<synchronous>, transform_indices = @transform_2, window_bounds = array<i64: 512, 400>}, {pipeline_mode = #tpu.pipeline_mode<synchronous>, transform_indices = @transform_3, window_bounds = array<i64: 1, 400>}, {pipeline_mode = #tpu.pipeline_mode<synchronous>, transform_indices = @transform_4, window_bounds = array<i64: 400, 400>}, {pipeline_mode = #tpu.pipeline_mode<synchronous>, transform_indices = @transform_5, window_bounds = array<i64: 1, 400>}, {pipeline_mode = #tpu.pipeline_mode<synchronous>, transform_indices = @transform_6, window_bounds = array<i64: 400, 400>}, {pipeline_mode = #tpu.pipeline_mode<synchronous>, transform_indices = @transform_7, window_bounds = array<i64: 1, 400>}, {pipeline_mode = #tpu.pipeline_mode<synchronous>, transform_indices = @transform_8, window_bounds = array<i64: 1, 400>}, {pipeline_mode = #tpu.pipeline_mode<synchronous>, transform_indices = @transform_9, window_bounds = array<i64: 1, 1>}, {pipeline_mode = #tpu.pipeline_mode<synchronous>, transform_indices = @transform_10, window_bounds = array<i64: 1, 1>}, {pipeline_mode = #tpu.pipeline_mode<synchronous>, transform_indices = @transform_11, window_bounds = array<i64: 32, 128>}]} {
    %eq3A = arith.constant 0 : i32
    %eq3A_0 = arith.cmpi eq, %arg0, %eq3A : i32
    %convert_element_type3A = arith.extui %eq3A_0 : i1 to i32
    %cond3A = arith.constant 0 : i32
    %cond3A_1 = arith.cmpi ne, %convert_element_type3A, %cond3A : i32
    scf.if %cond3A_1 {
      %swap3A = arith.constant 0.000000e+00 : f32
      %swap3A_11 = arith.constant 0 : index
      %swap3A_12 = memref.load %arg13[%swap3A_11] : memref<1xf32, #tpu.memory_space<smem>>
      memref.store %swap3A, %arg13[%swap3A_11] : memref<1xf32, #tpu.memory_space<smem>>
    } else {
    }
    %lt3A = arith.constant 4 : i32
    %lt3A_2 = arith.cmpi slt, %arg0, %lt3A : i32
    %convert_element_type3A_3 = arith.extui %lt3A_2 : i1 to i32
    %cond3A_4 = arith.constant 0 : i32
    %cond3A_5 = arith.cmpi ne, %convert_element_type3A_3, %cond3A_4 : i32
    scf.if %cond3A_5 {
      %get3A = arith.constant 0 : index
      %get3A_11 = arith.constant 0 : index
      %get3A_12 = vector.load %arg1[%get3A, %get3A_11] : memref<4096x128xf32, #tpu.memory_space<vmem>>, vector<4096x128xf32>
      %reshape3A = vector.shape_cast %get3A_12 : vector<4096x128xf32> to vector<1024x512xf32>
      %slice3A = vector.extract_strided_slice %reshape3A {offsets = [0, 0], sizes = [1024, 416], strides = [1, 1]} : vector<1024x512xf32> to vector<1024x416xf32>
      %reduce_sum3A = arith.constant dense<0.000000e+00> : vector<1024xf32>
      %reduce_sum3A_13 = vector.multi_reduction <add>, %slice3A, %reduce_sum3A [1] : vector<1024x416xf32> to vector<1024xf32>
      %get3A_14 = arith.constant 0 : index
      %get3A_15 = memref.load %arg13[%get3A_14] : memref<1xf32, #tpu.memory_space<smem>>
      %mul3A = arith.mulf %reduce_sum3A_13, %reduce_sum3A_13 : vector<1024xf32>
      %reduce_sum3A_16 = vector.shape_cast %mul3A : vector<1024xf32> to vector<1x1024xf32>
      %reduce_sum3A_17 = arith.constant dense<0.000000e+00> : vector<1xf32>
      %reduce_sum3A_18 = vector.multi_reduction <add>, %reduce_sum3A_16, %reduce_sum3A_17 [1] : vector<1x1024xf32> to vector<1xf32>
      %reduce_sum3A_19 = vector.shape_cast %reduce_sum3A_18 : vector<1xf32> to vector<1x1xf32>
      %reduce_sum3A_20 = vector.extract %reduce_sum3A_19[0, 0] : f32 from vector<1x1xf32>
      %mul3A_21 = arith.mulf %slice3A, %slice3A : vector<1024x416xf32>
      %reduce_sum3A_22 = vector.shape_cast %mul3A_21 : vector<1024x416xf32> to vector<1x1024x416xf32>
      %reduce_sum3A_23 = arith.constant dense<0.000000e+00> : vector<1xf32>
      %reduce_sum3A_24 = vector.multi_reduction <add>, %reduce_sum3A_22, %reduce_sum3A_23 [1, 2] : vector<1x1024x416xf32> to vector<1xf32>
      %reduce_sum3A_25 = vector.shape_cast %reduce_sum3A_24 : vector<1xf32> to vector<1x1x1xf32>
      %reduce_sum3A_26 = vector.extract %reduce_sum3A_25[0, 0, 0] : f32 from vector<1x1x1xf32>
      %sub3A = arith.subf %reduce_sum3A_20, %reduce_sum3A_26 : f32
      %add3A = arith.addf %get3A_15, %sub3A : f32
      %swap3A = arith.constant 0 : index
      %swap3A_27 = memref.load %arg13[%swap3A] : memref<1xf32, #tpu.memory_space<smem>>
      memref.store %add3A, %arg13[%swap3A] : memref<1xf32, #tpu.memory_space<smem>>
      %convert_element_type3A_28 = arith.truncf %reshape3A : vector<1024x512xf32> to vector<1024x512xbf16>
      %get3A_29 = arith.constant 0 : index
      %get3A_30 = arith.constant 0 : index
      %get3A_31 = vector.load %arg3[%get3A_29, %get3A_30] : memref<512x400xbf16, #tpu.memory_space<vmem>>, vector<512x400xbf16>
      %dot_general3A = arith.constant dense<0.000000e+00> : vector<1024x400xf32>
      %dot_general3A_32 = tpu.matmul %convert_element_type3A_28, %get3A_31, %dot_general3A {dimension_numbers = #tpu.dot_dimension_numbers<[1], [0], [0], [1], [0, 0, 1, 1], [], []>, transpose_lhs_hint = false} : vector<1024x512xbf16>, vector<512x400xbf16>, vector<1024x400xf32> -> vector<1024x400xf32>
      %get3A_33 = arith.constant 0 : index
      %get3A_34 = arith.constant 0 : index
      %get3A_35 = vector.load %arg4[%get3A_33, %get3A_34] : memref<1x400xf32, #tpu.memory_space<vmem>>, vector<1x400xf32>
      %add3A_36 = vector.broadcast %get3A_35 : vector<1x400xf32> to vector<1024x400xf32>
      %add3A_37 = arith.addf %dot_general3A_32, %add3A_36 : vector<1024x400xf32>
      %max3A = arith.constant 0.000000e+00 : f32
      %max3A_38 = vector.broadcast %max3A : f32 to vector<1024x400xf32>
      %max3A_39 = arith.maximumf %add3A_37, %max3A_38 : vector<1024x400xf32>
      %convert_element_type3A_40 = arith.truncf %max3A_39 : vector<1024x400xf32> to vector<1024x400xbf16>
      %get3A_41 = arith.constant 0 : index
      %get3A_42 = arith.constant 0 : index
      %get3A_43 = vector.load %arg5[%get3A_41, %get3A_42] : memref<400x400xbf16, #tpu.memory_space<vmem>>, vector<400x400xbf16>
      %dot_general3A_44 = arith.constant dense<0.000000e+00> : vector<1024x400xf32>
      %dot_general3A_45 = tpu.matmul %convert_element_type3A_40, %get3A_43, %dot_general3A_44 {dimension_numbers = #tpu.dot_dimension_numbers<[1], [0], [0], [1], [0, 0, 1, 1], [], []>, transpose_lhs_hint = false} : vector<1024x400xbf16>, vector<400x400xbf16>, vector<1024x400xf32> -> vector<1024x400xf32>
      %get3A_46 = arith.constant 0 : index
      %get3A_47 = arith.constant 0 : index
      %get3A_48 = vector.load %arg6[%get3A_46, %get3A_47] : memref<1x400xf32, #tpu.memory_space<vmem>>, vector<1x400xf32>
      %add3A_49 = vector.broadcast %get3A_48 : vector<1x400xf32> to vector<1024x400xf32>
      %add3A_50 = arith.addf %dot_general3A_45, %add3A_49 : vector<1024x400xf32>
      %max3A_51 = arith.constant 0.000000e+00 : f32
      %max3A_52 = vector.broadcast %max3A_51 : f32 to vector<1024x400xf32>
      %max3A_53 = arith.maximumf %add3A_50, %max3A_52 : vector<1024x400xf32>
      %convert_element_type3A_54 = arith.truncf %max3A_53 : vector<1024x400xf32> to vector<1024x400xbf16>
      %get3A_55 = arith.constant 0 : index
      %get3A_56 = arith.constant 0 : index
      %get3A_57 = vector.load %arg7[%get3A_55, %get3A_56] : memref<400x400xbf16, #tpu.memory_space<vmem>>, vector<400x400xbf16>
      %dot_general3A_58 = arith.constant dense<0.000000e+00> : vector<1024x400xf32>
      %dot_general3A_59 = tpu.matmul %convert_element_type3A_54, %get3A_57, %dot_general3A_58 {dimension_numbers = #tpu.dot_dimension_numbers<[1], [0], [0], [1], [0, 0, 1, 1], [], []>, transpose_lhs_hint = false} : vector<1024x400xbf16>, vector<400x400xbf16>, vector<1024x400xf32> -> vector<1024x400xf32>
      %get3A_60 = arith.constant 0 : index
      %get3A_61 = arith.constant 0 : index
      %get3A_62 = vector.load %arg8[%get3A_60, %get3A_61] : memref<1x400xf32, #tpu.memory_space<vmem>>, vector<1x400xf32>
      %add3A_63 = vector.broadcast %get3A_62 : vector<1x400xf32> to vector<1024x400xf32>
      %add3A_64 = arith.addf %dot_general3A_59, %add3A_63 : vector<1024x400xf32>
      %max3A_65 = arith.constant 0.000000e+00 : f32
      %max3A_66 = vector.broadcast %max3A_65 : f32 to vector<1024x400xf32>
      %max3A_67 = arith.maximumf %add3A_64, %max3A_66 : vector<1024x400xf32>
      %get3A_68 = arith.constant 0 : index
      %get3A_69 = arith.constant 0 : index
      %get3A_70 = vector.load %arg9[%get3A_68, %get3A_69] : memref<1x400xf32, #tpu.memory_space<vmem>>, vector<1x400xf32>
      %mul3A_71 = vector.broadcast %get3A_70 : vector<1x400xf32> to vector<1024x400xf32>
      %mul3A_72 = arith.mulf %max3A_67, %mul3A_71 : vector<1024x400xf32>
      %reduce_sum3A_73 = arith.constant dense<0.000000e+00> : vector<1024xf32>
      %reduce_sum3A_74 = vector.multi_reduction <add>, %mul3A_72, %reduce_sum3A_73 [1] : vector<1024x400xf32> to vector<1024xf32>
      %get3A_75 = arith.constant 0 : index
      %get3A_76 = arith.constant 0 : index
      %get3A_77 = vector.load %arg10[%get3A_75, %get3A_76] : memref<1x1xf32, #tpu.memory_space<vmem>>, vector<1x1xf32>
      %get3A_78 = vector.extract %get3A_77[0, 0] : f32 from vector<1x1xf32>
      %add3A_79 = vector.broadcast %get3A_78 : f32 to vector<1024xf32>
      %add3A_80 = arith.addf %reduce_sum3A_74, %add3A_79 : vector<1024xf32>
      %get3A_81 = arith.constant 0 : index
      %get3A_82 = arith.constant 0 : index
      %get3A_83 = vector.load %arg2[%get3A_81, %get3A_82] : memref<1024x128xf32, #tpu.memory_space<vmem>>, vector<1024x128xf32>
      %slice3A_84 = vector.extract_strided_slice %get3A_83 {offsets = [0, 0], sizes = [1024, 26], strides = [1, 1]} : vector<1024x128xf32> to vector<1024x26xf32>
      %reduce_sum3A_85 = arith.constant dense<0.000000e+00> : vector<1024xf32>
      %reduce_sum3A_86 = vector.multi_reduction <add>, %slice3A_84, %reduce_sum3A_85 [1] : vector<1024x26xf32> to vector<1024xf32>
      %add3A_87 = arith.addf %reduce_sum3A_86, %add3A_80 : vector<1024xf32>
      %mul3A_88 = arith.constant 1024 : i32
      %mul3A_89 = arith.muli %arg0, %mul3A_88 : i32
      %swap3A_90 = arith.index_cast %mul3A_89 : i32 to index
      %swap3A_91 = vector.load %arg14[%swap3A_90] : memref<4096xf32, #tpu.memory_space<vmem>>, vector<1024xf32>
      tpu.vector_store %arg14[%swap3A_90], %add3A_87 {strides = array<i32>} : memref<4096xf32, #tpu.memory_space<vmem>>, vector<1024xf32>,
    } else {
    }
    %eq3A_6 = arith.constant 4 : i32
    %eq3A_7 = arith.cmpi eq, %arg0, %eq3A_6 : i32
    %convert_element_type3A_8 = arith.extui %eq3A_7 : i1 to i32
    %cond3A_9 = arith.constant 0 : i32
    %cond3A_10 = arith.cmpi ne, %convert_element_type3A_8, %cond3A_9 : i32
    scf.if %cond3A_10 {
      %get3A = arith.constant 0 : index
      %get3A_11 = vector.load %arg14[%get3A] : memref<4096xf32, #tpu.memory_space<vmem>>, vector<4096xf32>
      %get3A_12 = arith.constant 0 : index
      %get3A_13 = arith.constant 0 : index
      %get3A_14 = vector.load %arg11[%get3A_12, %get3A_13] : memref<1x1xf32, #tpu.memory_space<vmem>>, vector<1x1xf32>
      %get3A_15 = vector.extract %get3A_14[0, 0] : f32 from vector<1x1xf32>
      %get3A_16 = arith.constant 0 : index
      %get3A_17 = memref.load %arg13[%get3A_16] : memref<1xf32, #tpu.memory_space<smem>>
      %mul3A = arith.constant 5.000000e-01 : f32
      %mul3A_18 = arith.mulf %mul3A, %get3A_17 : f32
      %add3A = arith.addf %get3A_15, %mul3A_18 : f32
      %add3A_19 = vector.broadcast %add3A : f32 to vector<4096xf32>
      %add3A_20 = arith.addf %get3A_11, %add3A_19 : vector<4096xf32>
      %logistic3A = arith.negf %add3A_20 : vector<4096xf32>
      %logistic3A_21 = math.exp %logistic3A : vector<4096xf32>
      %logistic3A_22 = arith.constant 1.000000e+00 : f32
      %logistic3A_23 = vector.broadcast %logistic3A_22 : f32 to vector<4096xf32>
      %logistic3A_24 = arith.addf %logistic3A_23, %logistic3A_21 : vector<4096xf32>
      %logistic3A_25 = arith.divf %logistic3A_23, %logistic3A_24 : vector<4096xf32>
      %reshape3A = vector.shape_cast %logistic3A_25 : vector<4096xf32> to vector<32x128xf32>
      %swap3A = arith.constant 0 : index
      %swap3A_26 = arith.constant 0 : index
      %swap3A_27 = vector.load %arg12[%swap3A, %swap3A_26] : memref<32x128xf32, #tpu.memory_space<vmem>>, vector<32x128xf32>
      tpu.vector_store %arg12[%swap3A, %swap3A_26], %reshape3A {strides = array<i32>} : memref<32x128xf32, #tpu.memory_space<vmem>>, vector<32x128xf32>,
    } else {
    }
    return
  }
  func.func @transform_0(%arg0: i32) -> (i32, i32) {
    %min3A = arith.constant 3 : i32
    %min3A_0 = arith.minsi %arg0, %min3A : i32
    %c0_i32 = arith.constant 0 : i32
    %c0_i32_1 = arith.constant 0 : i32
    return %min3A_0, %c0_i32 : i32, i32
  }
  func.func @transform_1(%arg0: i32) -> (i32, i32) {
    %min3A = arith.constant 3 : i32
    %min3A_0 = arith.minsi %arg0, %min3A : i32
    %c0_i32 = arith.constant 0 : i32
    %c0_i32_1 = arith.constant 0 : i32
    return %min3A_0, %c0_i32 : i32, i32
  }
  func.func @transform_2(%arg0: i32) -> (i32, i32) {
    %c0_i32 = arith.constant 0 : i32
    %c0_i32_0 = arith.constant 0 : i32
    %c0_i32_1 = arith.constant 0 : i32
    return %c0_i32, %c0_i32_0 : i32, i32
  }
  func.func @transform_3(%arg0: i32) -> (i32, i32) {
    %c0_i32 = arith.constant 0 : i32
    %c0_i32_0 = arith.constant 0 : i32
    %c0_i32_1 = arith.constant 0 : i32
    return %c0_i32, %c0_i32_0 : i32, i32
  }
  func.func @transform_4(%arg0: i32) -> (i32, i32) {
    %c0_i32 = arith.constant 0 : i32
    %c0_i32_0 = arith.constant 0 : i32
    %c0_i32_1 = arith.constant 0 : i32
    return %c0_i32, %c0_i32_0 : i32, i32
  }
  func.func @transform_5(%arg0: i32) -> (i32, i32) {
    %c0_i32 = arith.constant 0 : i32
    %c0_i32_0 = arith.constant 0 : i32
    %c0_i32_1 = arith.constant 0 : i32
    return %c0_i32, %c0_i32_0 : i32, i32
  }
  func.func @transform_6(%arg0: i32) -> (i32, i32) {
    %c0_i32 = arith.constant 0 : i32
    %c0_i32_0 = arith.constant 0 : i32
    %c0_i32_1 = arith.constant 0 : i32
    return %c0_i32, %c0_i32_0 : i32, i32
  }
  func.func @transform_7(%arg0: i32) -> (i32, i32) {
    %c0_i32 = arith.constant 0 : i32
    %c0_i32_0 = arith.constant 0 : i32
    %c0_i32_1 = arith.constant 0 : i32
    return %c0_i32, %c0_i32_0 : i32, i32
  }
  func.func @transform_8(%arg0: i32) -> (i32, i32) {
    %c0_i32 = arith.constant 0 : i32
    %c0_i32_0 = arith.constant 0 : i32
    %c0_i32_1 = arith.constant 0 : i32
    return %c0_i32, %c0_i32_0 : i32, i32
  }
  func.func @transform_9(%arg0: i32) -> (i32, i32) {
    %c0_i32 = arith.constant 0 : i32
    %c0_i32_0 = arith.constant 0 : i32
    %c0_i32_1 = arith.constant 0 : i32
    return %c0_i32, %c0_i32_0 : i32, i32
  }
  func.func @transform_10(%arg0: i32) -> (i32, i32) {
    %c0_i32 = arith.constant 0 : i32
    %c0_i32_0 = arith.constant 0 : i32
    %c0_i32_1 = arith.constant 0 : i32
    return %c0_i32, %c0_i32_0 : i32, i32
  }
  func.func @transform_11(%arg0: i32) -> (i32, i32) {
    %c0_i32 = arith.constant 0 : i32
    %c0_i32_0 = arith.constant 0 : i32
    %c0_i32_1 = arith.constant 0 : i32
    return %c0_i32, %c0_i32_0 : i32, i32
  }
}

</mosaic_0001>

<sc_bundles>
// kernel: kernel.4.cloned.1.call-start
scs
__scs_entry_jumppad:
0x0: {  	(pc) =	sbr.rel $0x88, $3  }
0x1: {  	(tag) =	ssettag $0x0;
	lr =	simm.s32 $0x1  }
0x2: {  	[smem:$0x3F95] =	sst lr;
	_ =	strace $0xD0000000  }
0x3: {  	_ = 	snop  }
0x4: {  	_ = 	snop  }
0x5: {  	_ = 	snop  }
0x6: {  	_ = 	snop  }
0x7: {  	_ = 	snop  }
__scs_overlays_trampoline_lowered:
0x8: {  	[smem:$0x3FA4] =	sst s0  }
0x9: {  	[smem:$0x3FA5] =	sst s1  }
0xa: {  	[smem:$0x3FA6] =	sst s2  }
0xb: {  	[smem:$0x3FA7] =	sst s3  }
0xc: {  	[smem:$0x3FA8] =	sst s4  }
0xd: {  	[smem:$0x3FA9] =	sst s5  }
0xe: {  	[smem:$0x3FAA] =	sst s6  }
0xf: {  	[smem:$0x3FAB] =	sst s7  }
0x10: {  	[smem:$0x3FAC] =	sst s8  }
0x11: {  	[smem:$0x3FAD] =	sst s9;
	s0 =	simm.s32 @!p0 $0x0  }
0x12: {  	s1 =	sld [smem:$0x3F93];
	s0 =	simm.s32 @p0 $0x1  }
0x13: {  	[smem:$0x3FAE] =	sst s0;
	s0 =	simm.s32 @!p1 $0x0  }
0x14: {  	s2 =	sld [smem:$0x3F92];
	s0 =	simm.s32 @p1 $0x1  }
0x15: {  	[smem:$0x3FAF] =	sst s0;
	s0 =	simm.s32 @!p2 $0x0  }
0x16: {  	s3 =	sld [smem:$0x3FDB];
	s0 =	simm.s32 @p2 $0x1  }
0x17: {  	s4 =	simm.s32 $0x1BF5;
	[smem:$0x3FB1] =	sst s0  }
0x18: {  	s0 =	sld [smem:$0x3F94];
	_ =	swait.ge [sflag:s4], $0x0  }
0x19: {  	s7 =	sld [smem:$0x3F95]  }
0x1a: {  	s8 =	sadd.s32 $0xFFFFE003, lr  }
0x1b: {  	s9 =	sadd.s32 $0xFFFFFEF7, lr;
	s5 =	simm.s32 $0xFFFFFFFF;
	p2 =	slt.u32 s8, $0xFFFFF086  }
0x1c: {  	p1 =	slt.u32 s9, $0xF7A;
	s5 =	simm.s32 @!p2 $0x0  }
0x1d: {  	s5 =	simm.s32 @p1 $0x1;
	p0 =	seq.s32 s7, s2  }
0x1e: {  	s7 =	smul.u32 @!p0 $0xF7A, s2;
	p2 =	seq.s32 @!p0 s5, $0x0  }
0x1f: {  	s9 =	smul.u32 $0xF7A, s1;
	s8 =	simm.s32 @!p0 $0x1BF5;
	p2 =	por !p2, p0  }
0x20: {  	[sflag:s8] =	ssyncset.s32 @!p0 $0xFFFFF086;
	s6 =	sadd.s32 @!p0 s3, s7;
	s7 =	simm.s32 @!p0 $0x108  }
0x21: {  	s3 =	sadd.s32 s3, s9;
	s6 =	sadd.s32 @!p0 $0x88, s6;
	s7 =	simm.s32 @p2 $0x1082  }
0x22: {  	[simem:s7], [sflag:s8] =	dma.local @!p0 [hbm:s6], $0xF7A  }
0x23: {  	s9 =	sor.u32 $0xD0000000, s2;
	s6 =	simm.s32 $0x108;
	_ =	swait.ge @!p0 [sflag:s8], $0x0  }
0x24: {  	s3 =	sadd.s32 $0x88, s3;
	s6 =	simm.s32 @!p1 $0x1082;
	[sflag:s4] =	ssyncset.s32 $0xFFFFF086  }
0x25: {  	[simem:s6], [sflag:s4] =	dma.local [hbm:s3], $0xF7A  }
0x26: {  	[smem:$0x3F95] =	sst s1;
	(tag) =	ssettag s2;
	_ =	strace s9  }
0x27: {  	s1 =	sld [smem:$0x3FA5]  }
0x28: {  	s2 =	sld [smem:$0x3FA6]  }
0x29: {  	s4 =	sld [smem:$0x3FA8]  }
0x2a: {  	p0 =	seq.s32 s5, $0x0;
	s5 =	sld [smem:$0x3FA9]  }
0x2b: {  	s6 =	sld [smem:$0x3FAA]  }
0x2c: {  	s7 =	sld [smem:$0x3FAB]  }
0x2d: {  	s3 =	simm.s32 $0x108;
	s8 =	sld [smem:$0x3FAC]  }
0x2e: {  	s3 =	simm.s32 @!p0 $0x1082;
	s9 =	sld [smem:$0x3FAD]  }
0x2f: {  	lr =	sadd.s32 s0, s3;
	s0 =	sld [smem:$0x3FA4]  }
0x30: {  	s3 =	sld [smem:$0x3FA7]  }
0x31: {  	[smem:$0x3FB0] =	sst s10  }
0x32: {  	s10 =	sld [smem:$0x3FAE];
	_ =	sdelay $0x3  }
0x33: {  	p0 =	seq.s32 s10, $0x1;
	s10 =	sld [smem:$0x3FB0];
	_ =	sdelay $0x3  }
0x34: {  	[smem:$0x3FB0] =	sst s10  }
0x35: {  	s10 =	sld [smem:$0x3FAF];
	_ =	sdelay $0x3  }
0x36: {  	p1 =	seq.s32 s10, $0x1;
	s10 =	sld [smem:$0x3FB0];
	_ =	sdelay $0x3  }
0x37: {  	[smem:$0x3FB0] =	sst s10  }
0x38: {  	s10 =	sld [smem:$0x3FB1]  }
0x39: {  	_ = 	snop;
	(pc) =	sbr.ind lr, $3  }
0x3a: {  	_ = 	snop  }
0x3b: {  	_ = 	snop  }
0x3c: {  	p2 =	seq.s32 s10, $0x1;
	s10 =	sld [smem:$0x3FB0]  }
0x3d: {  	_ =	shalt  }
0x3e: {  	_ =	shalt  }
0x3f: {  	_ =	shalt  }
0x40: {  	_ =	shalt  }
0x41: {  	_ =	shalt  }
0x42: {  	_ =	shalt  }
0x43: {  	_ =	shalt  }
0x44: {  	_ =	shalt  }
0x45: {  	_ =	shalt  }
0x46: {  	_ =	shalt  }
0x47: {  	_ =	shalt  }
0x48: {  	_ =	shalt  }
0x49: {  	_ =	shalt  }
0x4a: {  	_ =	shalt  }
0x4b: {  	_ =	shalt  }
0x4c: {  	_ =	shalt  }
0x4d: {  	_ =	shalt  }
0x4e: {  	_ =	shalt  }
0x4f: {  	_ =	shalt  }
0x50: {  	_ =	shalt  }
0x51: {  	_ =	shalt  }
0x52: {  	_ =	shalt  }
0x53: {  	_ =	shalt  }
0x54: {  	_ =	shalt  }
0x55: {  	_ =	shalt  }
0x56: {  	_ =	shalt  }
0x57: {  	_ =	shalt  }
0x58: {  	_ =	shalt  }
0x59: {  	_ =	shalt  }
0x5a: {  	_ =	shalt  }
0x5b: {  	_ =	shalt  }
0x5c: {  	_ =	shalt  }
0x5d: {  	_ =	shalt  }
0x5e: {  	_ =	shalt  }
0x5f: {  	_ =	shalt  }
0x60: {  	_ =	shalt  }
0x61: {  	_ =	shalt  }
0x62: {  	_ =	shalt  }
0x63: {  	_ =	shalt  }
0x64: {  	_ =	shalt  }
0x65: {  	_ =	shalt  }
0x66: {  	_ =	shalt  }
0x67: {  	_ =	shalt  }
0x68: {  	_ =	shalt  }
0x69: {  	_ =	shalt  }
0x6a: {  	_ =	shalt  }
0x6b: {  	_ =	shalt  }
0x6c: {  	_ =	shalt  }
0x6d: {  	_ =	shalt  }
0x6e: {  	_ =	shalt  }
0x6f: {  	_ =	shalt  }
0x70: {  	_ =	shalt  }
0x71: {  	_ =	shalt  }
0x72: {  	_ =	shalt  }
0x73: {  	_ =	shalt  }
0x74: {  	_ =	shalt  }
0x75: {  	_ =	shalt  }
0x76: {  	_ =	shalt  }
0x77: {  	_ =	shalt  }
0x78: {  	_ =	shalt  }
0x79: {  	_ =	shalt  }
0x7a: {  	_ =	shalt  }
0x7b: {  	_ =	shalt  }
0x7c: {  	_ =	shalt  }
0x7d: {  	_ =	shalt  }
0x7e: {  	_ =	shalt  }
0x7f: {  	_ =	shalt  }
0x80: {  	_ =	shalt  }
0x81: {  	_ =	shalt  }
0x82: {  	_ =	shalt  }
0x83: {  	_ =	shalt  }
0x84: {  	_ =	shalt  }
0x85: {  	_ =	shalt  }
0x86: {  	_ =	shalt  }
0x87: {  	_ =	shalt  }
.Lfunc_end0:
.L_simem_size_0:
called_computation_lowered:
.L_overlay_start_0:
0x88: {  	s2 =	sld [smem:$0x3FD9]  }
0x89: {  	s3 =	sld [smem:$0x3FFE];
	_ =	sdelay $0x1  }
0x8a: {  	s1 =	srdreg.scid  }
0x8b: {  	s0 =	sand.u32 $0x1, s1  }
0x8c: {  	s16 =	sshll.u32 s0, $0xA;
	s2 =	sadd.s32 s3, s2  }
0x8d: {  	s2 =	sadd.s32 s2, s16  }
0x8e: {  	[smem:$0x3FBC] =	sst s2  }
0x8f: {  	_ = 	snop  }
0x90: {  	(tm) =	ssettm $0x1  }
0x91: {  	s17 =	sld [smem:$0x3FFB];
	_ =	sdelay $0x3  }
0x92: {  	_ =	strace s17  }
0x93: {  	s2 =	sld [smem:$0x3FFC];
	_ =	sdelay $0x3  }
0x94: {  	_ =	strace s2  }
0x95: {  	s2 =	sld [smem:$0x3FFD];
	_ =	sdelay $0x3  }
0x96: {  	_ =	strace s2  }
0x97: {  	_ =	strace $0x8FFFFFFF  }
0x98: {  	s18 =	sld [smem:$0x3FDB];
	_ =	sdelay $0x1  }
0x99: {  	s19 =	simm.s32 $_scs_section_size  }
0x9a: {  	s4 =	simm.s32 $_size__tile_overlayer_lowered;
	s5 =	simm.s32 $_tile_overlayer_lowered  }
0x9b: {  	s22 =	simm.s32 $0x1BFF;
	s21 =	sshll.u32 s5, $0x1;
	s2 =	sadd.s32 s19, s18  }
0x9c: {  	s6 =	simm.s32 $0x0;
	s20 =	sshll.u32 s4, $0x1;
	s4 =	sadd.s32 s21, s2  }
0x9d: {  	[timem:s6], [sflag:s22] =	dma.local [hbm:s4], s20  }
0x9e: {  	_ =	swait.ge [sflag:s22], s20  }
0x9f: {  	s3 =	ssub.s32 $0x0, s20;
	[sflag:s22] =	ssyncset.done $0x0  }
0xa0: {  	[sflag:s22] =	ssyncadd.s32 s3;
	_ =	sdelay $0x1  }
0xa1: {  	s23 =	simm.s32 $0x1B8B  }
0xa2: {  	_ =	swait.ge [sflag:s23], $0x1  }
0xa3: {  	[sflag:s23] =	ssyncset.done $0x0  }
0xa4: {  	s25 =	simm.s32 $0x1B8E;
	s24 =	sld [smem:$0x3FFE];
	[sflag:s23] =	ssyncadd.s32 $0xFFFFFFFF  }
0xa5: {  	s26 =	simm.s32 $execute0_lowered;
	[smem:$0x3FD2] =	sst s25  }
0xa6: {  	s4 =	sshll.u32 s26, $0x1;
	_ =	strace $0x80000046;
	[dreg:$0x1] =	wrdreg $0xFFFFFFFF  }
0xa7: {  	s28 =	simm.s32 $_size_execute0_lowered;
	s2 =	sadd.s32 s2, s4;
	[dreg:$0x0] =	wrdreg $0x0  }
0xa8: {  	s4 =	sshll.u32 s28, $0x1;
	[dreg:$0x2] =	wrdreg s2  }
0xa9: {  	[dreg:$0x3] =	wrdreg s4  }
0xaa: {  	[dreg:$0x4] =	wrdreg $0xC0  }
0xab: {  	_ =	task [dreg:s6], $0x5FFFF  }
0xac: {  	[dreg:$0x1] =	wrdreg $0xFFFFFFFF  }
0xad: {  	[dreg:$0x0] =	wrdreg $0x60  }
0xae: {  	[dreg:$0x2] =	wrdreg s24  }
0xaf: {  	[dreg:$0x3] =	wrdreg $0x9  }
0xb0: {  	_ =	task.clear_ibuf [dreg:s6], $0x4FFFF;
	_ =	strace $0x90000046  }
0xb1: {  	s29 =	simm.s32 $0x9;
	_ =	strace $0x80000048  }
0xb2: {  	_ =	swait.ge [sflag:s29], $0x1  }
0xb3: {  	[sflag:s29] =	ssyncadd.s32 $0xFFFFFFFF  }
0xb4: {  	_ =	strace $0x90000048  }
0xb5: {  	_ =	sfence  }
0xb6: {  	s30 =	sld [smem:$0x0];
	_ =	sdelay $0x2  }
0xb7: {  	s31 =	sshll.u32 s1, $0xD;
	s1 =	sshrl.u32 s1, $0x2  }
0xb8: {  	s3 =	sand.u32 $0x4000, s31;
	s1 =	sadd.s32 s1, s30  }
0xb9: {  	s0 =	sor.u32 s3, s0;
	s1 =	sshll.u32 s1, $0x11  }
0xba: {  	s0 =	sor.u32 s1, s0  }
0xbb: {  	s0 =	sadd.s32 $0x8F2B, s0  }
0xbc: {  	[sflag:s0] =	ssyncadd.remote.s32 $0x1  }
0xbd: {  	_ =	sfence.sel $0xFFFF  }
0xbe: {  	[dreg:$0x0] =	wrdreg $0xFFFFFFFF;
	(pc) =	sbr.abs _section_cstart, $3  }
0xbf: {  	[dreg:$0x1] =	wrdreg $0xFFFFFFFF  }
0xc0: {  	_ =	task.clear_ibuf [dreg:s6], $0x2FFFF;
	_ =	strace $0x9FFFFFFF  }
0xc1: {  	(tm) =	ssettm $0x7FFFFFFF  }
tec
execute0_lowered:
.L_overlay_start_1:
0x0: {  	(tag) =	ssettag $0x1  }
0x1: {  	s0 =	rddreg [dreg:$0x0]  }
0x2: {  	s1 =	srdreg.scid;
	s3 =	stileid.u32  }
0x3: {  	s2 =	simm.s32 $0x0;
	s9 =	simm.s32 $0x2;
	s10 =	simm.s32 $0x80  }
0x4: {  	s11 =	simm.s32 $0x1000;
	s17 =	simm.s32 $0xC80;
	s18 =	simm.s32 $0xD800  }
0x5: {  	s19 =	simm.s32 $0xD00;
	s20 =	simm.s32 $0xE000;
	s21 =	simm.s32 $0xD80  }
0x6: {  	s22 =	simm.s32 $0xE800;
	s23 =	simm.s32 $0xE00;
	s24 =	simm.s32 $0xF000  }
0x7: {  	v0 =	vimm.s32 $0x61A8;
	vm0 =	vcmask $0x300;
	s25 =	simm.s32 $0xE80;
	s26 =	simm.s32 $0xF800;
	s28 =	simm.s32 $0xF00  }
0x8: {  	vm8 =	vcmask $0x704;
	s29 =	simm.s32 $0x10000;
	s30 =	simm.s32 $0xF80;
	s31 =	simm.s32 $0x10800;
	v0 =	vsel vm0, $0x3E80, v0  }
0x9: {  	vm9 =	vcmask $0xB08;
	s12 =	simm.s32 $0x17590;
	s1 =	sand.u32 $0x1, s1;
	s3 =	sshll.u32 s3, $0x1;
	v0 =	vsel vm8, $0x4268, v0  }
0xa: {  	vm10 =	vcmask $0xF0C;
	s13 =	simm.s32 $0x0;
	[smem:$0x7FF] =	sst s2;
	s5 =	sor.u32 s1, s3;
	v0 =	vsel vm9, $0x4650, v0  }
0xb: {  	vm11 =	vcmask $0x1310;
	_ =	strace $0x80000047;
	s3 =	sadd.s32 $0x5C00, s0;
	s1 =	ssub.s32 $0x2, s1;
	v0 =	vsel vm10, $0x4A38, v0  }
0xc: {  	vm12 =	vcmask $0x1714;
	s4 =	sshll.u32 s5, $0x9;
	s7 =	sshll.u32 s5, $0xD;
	s5 =	sshll.u32 s5, $0xB;
	v0 =	vsel vm11, $0x4E20, v0  }
0xd: {  	vm13 =	vcmask $0x1B18;
	s8 =	sshrl.u32 s1, $0x1;
	s6 =	sadd.s32 s4, s0;
	s4 =	sadd.s32 $0x6400, s0;
	v0 =	vsel vm12, $0x5208, v0  }
0xe: {  	vm14 =	vcmask $0x1F1C;
	s7 =	sadd.s32 s7, s0;
	s0 =	sadd.s32 s5, s0;
	s1 =	ssub.s32 s1, s8;
	v0 =	vsel vm13, $0x55F0, v0  }
0xf: {  	v1 =	vlaneseq.u32;
	vm15 =	vcmask $0x2320;
	s5 =	sadd.s32 $0x1C00, s6;
	s6 =	sadd.s32 $0x7200, s7;
	s7 =	sadd.s32 $0x47200, s0;
	v2 =	vsel vm14, $0x59D8, v0  }
0x10: {  	s8 =	smax.u32 s1, $0x1;
	s0 =	simm.s32 $0x11000;
	s1 =	simm.s32 $0x1;
	v0 =	vmul.u32 $0x3E8, v1;
	v1 =	vsel vm15, $0x5DC0, v2  }
.LBB2_1:
0x11: {  	[tilespmem:s2], [sflag:$0x2] =	stream.linear.gather [hbm4b:s5+s2], $0x1000, $0x38;
	[tilespmem:$0x1B590] =	vst v63  }
0x12: {  	_ =	swait.ge [sflag:s9], $0x1000  }
0x13: {  	[sflag:s9] =	ssyncset.done $0x0  }
0x14: {  	[sflag:s9] =	ssyncadd.s32 $0xFFFFF000  }
0x15: {  	[tilespmem:s11], [sflag:$0x1] =	stream.indirect.gather [hbm4b:s3+s10], $0x10, s2, s10, $0xb8;
	[tilespmem:$0x1B590] =	vst v63  }
0x16: {  	s14 =	simm.s32 $0x1800  }
0x17: {  	[tilespmem:s14], [sflag:$0x1] =	stream.indirect.gather [hbm4b:s3+s10], $0x10, s10, s10, $0xb8;
	[tilespmem:$0x1B590] =	vst v63  }
0x18: {  	s16 =	simm.s32 $0x100;
	s15 =	simm.s32 $0x2000  }
0x19: {  	[tilespmem:s15], [sflag:$0x1] =	stream.indirect.gather [hbm4b:s3+s10], $0x10, s16, s10, $0xb8;
	[tilespmem:$0x1B590] =	vst v63  }
0x1a: {  	s15 =	simm.s32 $0x180;
	s16 =	simm.s32 $0x2800  }
0x1b: {  	[tilespmem:s16], [sflag:$0x1] =	stream.indirect.gather [hbm4b:s3+s10], $0x10, s15, s10, $0xb8;
	[tilespmem:$0x1B590] =	vst v63  }
0x1c: {  	s15 =	simm.s32 $0x200;
	s16 =	simm.s32 $0x3000  }
0x1d: {  	[tilespmem:s16], [sflag:$0x1] =	stream.indirect.gather [hbm4b:s3+s10], $0x10, s15, s10, $0xb8;
	[tilespmem:$0x1B590] =	vst v63  }
0x1e: {  	s15 =	simm.s32 $0x280;
	s16 =	simm.s32 $0x3800  }
0x1f: {  	[tilespmem:s16], [sflag:$0x1] =	stream.indirect.gather [hbm4b:s3+s10], $0x10, s15, s10, $0xb8;
	[tilespmem:$0x1B590] =	vst v63  }
0x20: {  	s15 =	simm.s32 $0x300;
	s16 =	simm.s32 $0x4000  }
0x21: {  	[tilespmem:s16], [sflag:$0x1] =	stream.indirect.gather [hbm4b:s3+s10], $0x10, s15, s10, $0xb8;
	[tilespmem:$0x1B590] =	vst v63  }
0x22: {  	s15 =	simm.s32 $0x380;
	s16 =	simm.s32 $0x4800  }
0x23: {  	[tilespmem:s16], [sflag:$0x1] =	stream.indirect.gather [hbm4b:s3+s10], $0x10, s15, s10, $0xb8;
	[tilespmem:$0x1B590] =	vst v63  }
0x24: {  	s15 =	simm.s32 $0x400;
	s16 =	simm.s32 $0x5000  }
0x25: {  	[tilespmem:s16], [sflag:$0x1] =	stream.indirect.gather [hbm4b:s3+s10], $0x10, s15, s10, $0xb8;
	[tilespmem:$0x1B590] =	vst v63  }
0x26: {  	s15 =	simm.s32 $0x480;
	s16 =	simm.s32 $0x5800  }
0x27: {  	[tilespmem:s16], [sflag:$0x1] =	stream.indirect.gather [hbm4b:s3+s10], $0x10, s15, s10, $0xb8;
	[tilespmem:$0x1B590] =	vst v63  }
0x28: {  	s15 =	simm.s32 $0x500;
	s16 =	simm.s32 $0x6000  }
0x29: {  	[tilespmem:s16], [sflag:$0x1] =	stream.indirect.gather [hbm4b:s3+s10], $0x10, s15, s10, $0xb8;
	[tilespmem:$0x1B590] =	vst v63  }
0x2a: {  	s15 =	simm.s32 $0x580;
	s16 =	simm.s32 $0x6800  }
0x2b: {  	[tilespmem:s16], [sflag:$0x1] =	stream.indirect.gather [hbm4b:s3+s10], $0x10, s15, s10, $0xb8;
	[tilespmem:$0x1B590] =	vst v63  }
0x2c: {  	s15 =	simm.s32 $0x600;
	s16 =	simm.s32 $0x7000  }
0x2d: {  	[tilespmem:s16], [sflag:$0x1] =	stream.indirect.gather [hbm4b:s3+s10], $0x10, s15, s10, $0xb8;
	[tilespmem:$0x1B590] =	vst v63  }
0x2e: {  	s15 =	simm.s32 $0x680;
	s16 =	simm.s32 $0x7800  }
0x2f: {  	[tilespmem:s16], [sflag:$0x1] =	stream.indirect.gather [hbm4b:s3+s10], $0x10, s15, s10, $0xb8;
	[tilespmem:$0x1B590] =	vst v63  }
0x30: {  	s15 =	simm.s32 $0x700;
	s16 =	simm.s32 $0x8000  }
0x31: {  	[tilespmem:s16], [sflag:$0x1] =	stream.indirect.gather [hbm4b:s3+s10], $0x10, s15, s10, $0xb8;
	[tilespmem:$0x1B590] =	vst v63  }
0x32: {  	s15 =	simm.s32 $0x780;
	s16 =	simm.s32 $0x8800  }
0x33: {  	[tilespmem:s16], [sflag:$0x1] =	stream.indirect.gather [hbm4b:s3+s10], $0x10, s15, s10, $0xb8;
	[tilespmem:$0x1B590] =	vst v63  }
0x34: {  	s15 =	simm.s32 $0x800;
	s16 =	simm.s32 $0x9000  }
0x35: {  	[tilespmem:s16], [sflag:$0x1] =	stream.indirect.gather [hbm4b:s3+s10], $0x10, s15, s10, $0xb8;
	[tilespmem:$0x1B590] =	vst v63  }
0x36: {  	s15 =	simm.s32 $0x880;
	s16 =	simm.s32 $0x9800  }
0x37: {  	[tilespmem:s16], [sflag:$0x1] =	stream.indirect.gather [hbm4b:s3+s10], $0x10, s15, s10, $0xb8;
	[tilespmem:$0x1B590] =	vst v63  }
0x38: {  	s15 =	simm.s32 $0x900;
	s16 =	simm.s32 $0xA000  }
0x39: {  	[tilespmem:s16], [sflag:$0x1] =	stream.indirect.gather [hbm4b:s3+s10], $0x10, s15, s10, $0xb8;
	[tilespmem:$0x1B590] =	vst v63  }
0x3a: {  	s15 =	simm.s32 $0x980;
	s16 =	simm.s32 $0xA800  }
0x3b: {  	[tilespmem:s16], [sflag:$0x1] =	stream.indirect.gather [hbm4b:s3+s10], $0x10, s15, s10, $0xb8;
	[tilespmem:$0x1B590] =	vst v63  }
0x3c: {  	s15 =	simm.s32 $0xA00;
	s16 =	simm.s32 $0xB000  }
0x3d: {  	[tilespmem:s16], [sflag:$0x1] =	stream.indirect.gather [hbm4b:s3+s10], $0x10, s15, s10, $0xb8;
	[tilespmem:$0x1B590] =	vst v63  }
0x3e: {  	s15 =	simm.s32 $0xA80;
	s16 =	simm.s32 $0xB800  }
0x3f: {  	[tilespmem:s16], [sflag:$0x1] =	stream.indirect.gather [hbm4b:s3+s10], $0x10, s15, s10, $0xb8;
	[tilespmem:$0x1B590] =	vst v63  }
0x40: {  	s15 =	simm.s32 $0xB00;
	s16 =	simm.s32 $0xC000  }
0x41: {  	[tilespmem:s16], [sflag:$0x1] =	stream.indirect.gather [hbm4b:s3+s10], $0x10, s15, s10, $0xb8;
	[tilespmem:$0x1B590] =	vst v63  }
0x42: {  	s15 =	simm.s32 $0xB80;
	s16 =	simm.s32 $0xC800  }
0x43: {  	[tilespmem:s16], [sflag:$0x1] =	stream.indirect.gather [hbm4b:s3+s10], $0x10, s15, s10, $0xb8;
	[tilespmem:$0x1B590] =	vst v63  }
0x44: {  	s15 =	simm.s32 $0xC00;
	s16 =	simm.s32 $0xD000  }
0x45: {  	[tilespmem:s16], [sflag:$0x1] =	stream.indirect.gather [hbm4b:s3+s10], $0x10, s15, s10, $0xb8;
	[tilespmem:$0x1B590] =	vst v63  }
0x46: {  	_ = 	snop  }
0x47: {  	[tilespmem:s18], [sflag:$0x1] =	stream.indirect.gather [hbm4b:s3+s10], $0x10, s17, s10, $0xb8;
	[tilespmem:$0x1B590] =	vst v63  }
0x48: {  	_ = 	snop  }
0x49: {  	[tilespmem:s20], [sflag:$0x1] =	stream.indirect.gather [hbm4b:s3+s10], $0x10, s19, s10, $0xb8;
	[tilespmem:$0x1B590] =	vst v63  }
0x4a: {  	_ = 	snop  }
0x4b: {  	[tilespmem:s22], [sflag:$0x1] =	stream.indirect.gather [hbm4b:s3+s10], $0x10, s21, s10, $0xb8;
	[tilespmem:$0x1B590] =	vst v63  }
0x4c: {  	_ = 	snop  }
0x4d: {  	[tilespmem:s24], [sflag:$0x1] =	stream.indirect.gather [hbm4b:s3+s10], $0x10, s23, s10, $0xb8;
	[tilespmem:$0x1B590] =	vst v63  }
0x4e: {  	_ = 	snop  }
0x4f: {  	[tilespmem:s26], [sflag:$0x1] =	stream.indirect.gather [hbm4b:s3+s10], $0x10, s25, s10, $0xb8;
	[tilespmem:$0x1B590] =	vst v63  }
0x50: {  	_ = 	snop  }
0x51: {  	[tilespmem:s29], [sflag:$0x1] =	stream.indirect.gather [hbm4b:s3+s10], $0x10, s28, s10, $0xb8;
	[tilespmem:$0x1B590] =	vst v63  }
0x52: {  	_ = 	snop  }
0x53: {  	[tilespmem:s31], [sflag:$0x1] =	stream.indirect.gather [hbm4b:s3+s10], $0x10, s30, s10, $0xb8;
	[tilespmem:$0x1B590] =	vst v63  }
0x54: {  	_ = 	snop  }
0x55: {  	[tilespmem:s0], [sflag:$0x2] =	stream.linear.gather [hbm4b:s4+s2], $0x6590, $0x38;
	[tilespmem:$0x1B590] =	vst v63  }
0x56: {  	_ =	swait.ge [sflag:s9], $0x6590  }
0x57: {  	[sflag:s9] =	ssyncset.done $0x0  }
0x58: {  	s14 =	simm.s32 $0x17690;
	s15 =	simm.s32 $0x0;
	[sflag:s9] =	ssyncadd.s32 $0xFFFF9A70  }
.LBB2_2:
0x59: {  	s16 =	sshra.s32 s15, $0x2  }
0x5a: {  	v2 =	vld [tilespmem:s16+$0x0];
	_ =	sdelay $0x4  }
0x5b: {  	v2 =	vadd.s32 v0, v2;
	_ =	sdelay $0x4  }
0x5c: {  	v2 =	vld.idx.msk [tilespmem:v2+s0+$0x0], $0xffff;
	_ =	sdelay $0x4  }
0x5d: {  	[tilespmem:s14+$0xFFFFFF00] =	vst v2  }
0x5e: {  	v2 =	vld [tilespmem:s16+$0x10];
	_ =	sdelay $0x4  }
0x5f: {  	v2 =	vadd.s32 v1, v2;
	_ =	sdelay $0x4  }
0x60: {  	v2 =	vld.idx.msk [tilespmem:v2+s0+$0x0], $0xffff;
	_ =	sdelay $0x4  }
0x61: {  	[tilespmem:s14+$0xFFFFFF10] =	vst v2  }
0x62: {  	v2 =	vld [tilespmem:s16+$0x20];
	_ =	sdelay $0x4  }
0x63: {  	v2 =	vadd.s32 v0, v2;
	_ =	sdelay $0x4  }
0x64: {  	v2 =	vld.idx.msk [tilespmem:v2+s0+$0x0], $0xffff;
	_ =	sdelay $0x4  }
0x65: {  	[tilespmem:s14+$0xFFFFFF80] =	vst v2  }
0x66: {  	v2 =	vld [tilespmem:s16+$0x30];
	_ =	sdelay $0x4  }
0x67: {  	v2 =	vadd.s32 v1, v2;
	_ =	sdelay $0x4  }
0x68: {  	v2 =	vld.idx.msk [tilespmem:v2+s0+$0x0], $0xffff;
	_ =	sdelay $0x4  }
0x69: {  	[tilespmem:s14+$0xFFFFFF90] =	vst v2  }
0x6a: {  	v2 =	vld [tilespmem:s16+$0x40];
	_ =	sdelay $0x4  }
0x6b: {  	v2 =	vadd.s32 v0, v2;
	_ =	sdelay $0x4  }
0x6c: {  	v2 =	vld.idx.msk [tilespmem:v2+s0+$0x0], $0xffff;
	_ =	sdelay $0x4  }
0x6d: {  	[tilespmem:s14+$0x0] =	vst v2  }
0x6e: {  	v2 =	vld [tilespmem:s16+$0x50];
	_ =	sdelay $0x4  }
0x6f: {  	v2 =	vadd.s32 v1, v2;
	_ =	sdelay $0x4  }
0x70: {  	v2 =	vld.idx.msk [tilespmem:v2+s0+$0x0], $0xffff;
	_ =	sdelay $0x4  }
0x71: {  	[tilespmem:s14+$0x10] =	vst v2  }
0x72: {  	v2 =	vld [tilespmem:s16+$0x60];
	_ =	sdelay $0x4  }
0x73: {  	v2 =	vadd.s32 v0, v2;
	_ =	sdelay $0x4  }
0x74: {  	v2 =	vld.idx.msk [tilespmem:v2+s0+$0x0], $0xffff;
	_ =	sdelay $0x4  }
0x75: {  	[tilespmem:s14+$0x80] =	vst v2  }
0x76: {  	v2 =	vld [tilespmem:s16+$0x70];
	_ =	sdelay $0x4  }
0x77: {  	v2 =	vadd.s32 v1, v2;
	_ =	sdelay $0x4  }
0x78: {  	p0 =	sne.s32 s15, $0x3E00;
	v2 =	vld.idx.msk [tilespmem:v2+s0+$0x0], $0xffff  }
.Ltmp0:
0x79: {  	_ = 	snop;
	(pc) =	sbr.rel @p0 .LBB2_2-.Ltmp0, $2  }
0x7a: {  	_ =	sdelay $0x2  }
0x7b: {  	s15 =	sadd.s32 $0x200, s15;
	[tilespmem:s14+$0x90] =	vst v2;
	s14 =	sadd.s32 $0x200, s14  }
0x7c: {  	_ =	swait.ge [sflag:s1], $0x800  }
0x7d: {  	[sflag:s1] =	ssyncset.done $0x0  }
0x7e: {  	[sflag:s1] =	ssyncadd.s32 $0xFFFFF800  }
0x7f: {  	_ =	swait.ge [sflag:s1], $0x800  }
0x80: {  	[sflag:s1] =	ssyncset.done $0x0  }
0x81: {  	[sflag:s1] =	ssyncadd.s32 $0xFFFFF800  }
0x82: {  	_ =	swait.ge [sflag:s1], $0x800  }
0x83: {  	[sflag:s1] =	ssyncset.done $0x0  }
0x84: {  	[sflag:s1] =	ssyncadd.s32 $0xFFFFF800  }
0x85: {  	_ =	swait.ge [sflag:s1], $0x800  }
0x86: {  	[sflag:s1] =	ssyncset.done $0x0  }
0x87: {  	[sflag:s1] =	ssyncadd.s32 $0xFFFFF800  }
0x88: {  	_ =	swait.ge [sflag:s1], $0x800  }
0x89: {  	[sflag:s1] =	ssyncset.done $0x0  }
0x8a: {  	[sflag:s1] =	ssyncadd.s32 $0xFFFFF800  }
0x8b: {  	_ =	swait.ge [sflag:s1], $0x800  }
0x8c: {  	[sflag:s1] =	ssyncset.done $0x0  }
0x8d: {  	[sflag:s1] =	ssyncadd.s32 $0xFFFFF800  }
0x8e: {  	_ =	swait.ge [sflag:s1], $0x800  }
0x8f: {  	[sflag:s1] =	ssyncset.done $0x0  }
0x90: {  	[sflag:s1] =	ssyncadd.s32 $0xFFFFF800  }
0x91: {  	_ =	swait.ge [sflag:s1], $0x800  }
0x92: {  	[sflag:s1] =	ssyncset.done $0x0  }
0x93: {  	[sflag:s1] =	ssyncadd.s32 $0xFFFFF800  }
0x94: {  	_ =	swait.ge [sflag:s1], $0x800  }
0x95: {  	[sflag:s1] =	ssyncset.done $0x0  }
0x96: {  	[sflag:s1] =	ssyncadd.s32 $0xFFFFF800  }
0x97: {  	_ =	swait.ge [sflag:s1], $0x800  }
0x98: {  	[sflag:s1] =	ssyncset.done $0x0  }
0x99: {  	[sflag:s1] =	ssyncadd.s32 $0xFFFFF800  }
0x9a: {  	_ =	swait.ge [sflag:s1], $0x800  }
0x9b: {  	[sflag:s1] =	ssyncset.done $0x0  }
0x9c: {  	[sflag:s1] =	ssyncadd.s32 $0xFFFFF800  }
0x9d: {  	_ =	swait.ge [sflag:s1], $0x800  }
0x9e: {  	[sflag:s1] =	ssyncset.done $0x0  }
0x9f: {  	[sflag:s1] =	ssyncadd.s32 $0xFFFFF800  }
0xa0: {  	_ =	swait.ge [sflag:s1], $0x800  }
0xa1: {  	[sflag:s1] =	ssyncset.done $0x0  }
0xa2: {  	[sflag:s1] =	ssyncadd.s32 $0xFFFFF800  }
0xa3: {  	_ =	swait.ge [sflag:s1], $0x800  }
0xa4: {  	[sflag:s1] =	ssyncset.done $0x0  }
0xa5: {  	[sflag:s1] =	ssyncadd.s32 $0xFFFFF800  }
0xa6: {  	_ =	swait.ge [sflag:s1], $0x800  }
0xa7: {  	[sflag:s1] =	ssyncset.done $0x0  }
0xa8: {  	[sflag:s1] =	ssyncadd.s32 $0xFFFFF800  }
0xa9: {  	_ =	swait.ge [sflag:s1], $0x800  }
0xaa: {  	[sflag:s1] =	ssyncset.done $0x0  }
0xab: {  	[sflag:s1] =	ssyncadd.s32 $0xFFFFF800  }
0xac: {  	_ =	swait.ge [sflag:s1], $0x800  }
0xad: {  	[sflag:s1] =	ssyncset.done $0x0  }
0xae: {  	[sflag:s1] =	ssyncadd.s32 $0xFFFFF800  }
0xaf: {  	_ =	swait.ge [sflag:s1], $0x800  }
0xb0: {  	[sflag:s1] =	ssyncset.done $0x0  }
0xb1: {  	[sflag:s1] =	ssyncadd.s32 $0xFFFFF800  }
0xb2: {  	_ =	swait.ge [sflag:s1], $0x800  }
0xb3: {  	[sflag:s1] =	ssyncset.done $0x0  }
0xb4: {  	[sflag:s1] =	ssyncadd.s32 $0xFFFFF800  }
0xb5: {  	_ =	swait.ge [sflag:s1], $0x800  }
0xb6: {  	[sflag:s1] =	ssyncset.done $0x0  }
0xb7: {  	[sflag:s1] =	ssyncadd.s32 $0xFFFFF800  }
0xb8: {  	_ =	swait.ge [sflag:s1], $0x800  }
0xb9: {  	[sflag:s1] =	ssyncset.done $0x0  }
0xba: {  	[sflag:s1] =	ssyncadd.s32 $0xFFFFF800  }
0xbb: {  	_ =	swait.ge [sflag:s1], $0x800  }
0xbc: {  	[sflag:s1] =	ssyncset.done $0x0  }
0xbd: {  	[sflag:s1] =	ssyncadd.s32 $0xFFFFF800  }
0xbe: {  	_ =	swait.ge [sflag:s1], $0x800  }
0xbf: {  	[sflag:s1] =	ssyncset.done $0x0  }
0xc0: {  	[sflag:s1] =	ssyncadd.s32 $0xFFFFF800  }
0xc1: {  	_ =	swait.ge [sflag:s1], $0x800  }
0xc2: {  	[sflag:s1] =	ssyncset.done $0x0  }
0xc3: {  	[sflag:s1] =	ssyncadd.s32 $0xFFFFF800  }
0xc4: {  	_ =	swait.ge [sflag:s1], $0x800  }
0xc5: {  	[sflag:s1] =	ssyncset.done $0x0  }
0xc6: {  	[sflag:s1] =	ssyncadd.s32 $0xFFFFF800  }
0xc7: {  	_ =	swait.ge [sflag:s1], $0x800  }
0xc8: {  	[sflag:s1] =	ssyncset.done $0x0  }
0xc9: {  	[sflag:s1] =	ssyncadd.s32 $0xFFFFF800  }
0xca: {  	_ =	swait.ge [sflag:s1], $0x800  }
0xcb: {  	[sflag:s1] =	ssyncset.done $0x0  }
0xcc: {  	[sflag:s1] =	ssyncadd.s32 $0xFFFFF800  }
0xcd: {  	_ =	swait.ge [sflag:s1], $0x800  }
0xce: {  	[sflag:s1] =	ssyncset.done $0x0  }
0xcf: {  	[sflag:s1] =	ssyncadd.s32 $0xFFFFF800  }
0xd0: {  	_ =	swait.ge [sflag:s1], $0x800  }
0xd1: {  	[sflag:s1] =	ssyncset.done $0x0  }
0xd2: {  	[sflag:s1] =	ssyncadd.s32 $0xFFFFF800  }
0xd3: {  	_ =	swait.ge [sflag:s1], $0x800  }
0xd4: {  	[sflag:s1] =	ssyncset.done $0x0  }
0xd5: {  	[sflag:s1] =	ssyncadd.s32 $0xFFFFF800  }
0xd6: {  	_ =	swait.ge [sflag:s1], $0x800  }
0xd7: {  	[sflag:s1] =	ssyncset.done $0x0  }
0xd8: {  	[sflag:s1] =	ssyncadd.s32 $0xFFFFF800  }
0xd9: {  	_ =	swait.ge [sflag:s1], $0x800  }
0xda: {  	[sflag:s1] =	ssyncset.done $0x0  }
0xdb: {  	[sflag:s1] =	ssyncadd.s32 $0xFFFFF800  }
0xdc: {  	[hbm4b:s6+s2] =	stream.linear.scatter [tilespmem:s11], [sflag:$0x2], $0x10000, $0x38;
	[tilespmem:$0x1B590] =	vst v63  }
0xdd: {  	s13 =	sadd.s32 $0x1, s13;
	_ =	swait.ge [sflag:s9], $0x10000  }
0xde: {  	p0 =	sne.s32 s13, s8;
	[sflag:s9] =	ssyncset.done $0x0  }
.Ltmp1:
0xdf: {  	[sflag:s9] =	ssyncadd.s32 $0xFFFF0000;
	(pc) =	sbr.rel @p0 .LBB2_1-.Ltmp1, $4  }
0xe0: {  	[hbm4b:s7+s2] =	stream.linear.scatter [tilespmem:s12], [sflag:$0x2], $0x4000, $0x38;
	[tilespmem:$0x1B590] =	vst v63  }
0xe1: {  	_ =	swait.ge [sflag:s9], $0x4000  }
0xe2: {  	[sflag:s9] =	ssyncset.done $0x0  }
0xe3: {  	[sflag:s9] =	ssyncadd.s32 $0xFFFFC000  }
0xe4: {  	_ =	sfence.sel $0x180000  }
0xe5: {  	[bflag:$0x0] =	sbarrier.arrive $0xFFFF  }
0xe6: {  	_ =	strace $0x90000047  }
0xe7: {  	s0 =	stileid.u32;
	[bflag:$0x2] =	sbarrier.arrive $0xFFFF  }
0xe8: {  	p0 =	sne.s32 s0, $0x0;
	s0 =	rddreg [dreg:$0x1]  }
0xe9: {  	s0 =	sadd.s32 @!p0 $0x100000, s0  }
0xea: {  	[sflag:s0] =	ssyncadd.tile.s32 @!p0 $0x1;
	_ =	shalt  }
.Lfunc_end2:
_tile_overlayer_lowered:
.L_overlay_start_2:
0xeb: {  	(tag) =	ssettag $0x2  }
0xec: {  	s0 =	rddreg [dreg:$0x0];
	s2 =	stileid.u32  }
0xed: {  	s1 =	rddreg [dreg:$0x1];
	p0 =	sne.s32 s2, $0x0  }
0xee: {  	s3 =	rddreg [dreg:$0x2];
	[bflag:$0x3] =	sbarrier.arrive $0xFFFF;
	s2 =	simm.s32 @!p0 $0x1C02  }
0xef: {  	[timem:s3], [sflag:s2] =	dma.local @!p0 [hbm:s0], s1  }
0xf0: {  	s0 =	simm.s32 @!p0 $0x2  }
0xf1: {  	_ =	swait.ge @!p0 [sflag:s0], s1  }
0xf2: {  	s1 =	ssub.s32 @!p0 $0x0, s1;
	[sflag:s0] =	ssyncset.done @!p0 $0x0  }
0xf3: {  	[sflag:s0] =	ssyncadd.s32 @!p0 s1  }
0xf4: {  	[bflag:$0x3] =	sbarrier.arrive $0xFFFF  }
0xf5: {  	_ =	shalt  }

</sc_bundles>
